<compile_context>
chip_gen: v7x
topology: tpu7x:2x2x1
jax: 0.10.2.dev20260603
libtpu: 0.0.44.dev20260713+nightly
codegen_flags: <defaults>
</compile_context>

<pallas_src>
import functools

import jax
import jax.numpy as jnp
from jax import lax
from jax.experimental import pallas as pl
from jax.experimental.pallas import tpu as pltpu
from jax.experimental.pallas import tpu_sc as plsc

_NC = 2
_NS = 16
_NW = _NC * _NS


def _rotate_relu_table(emb, W_rot, b_rot):
    V, E = emb.shape
    H = W_rot.shape[0]
    Hh = H // 2
    VB = 10000

    def body(emb_ref, wt_ref, b_ref, r_ref):
        acc = jnp.dot(emb_ref[...], wt_ref[...],
                      preferred_element_type=jnp.float32)
        a = jnp.maximum(acc + b_ref[...], 0.0).astype(jnp.bfloat16)
        u1 = jax.lax.bitcast_convert_type(a[:, :Hh],
                                          jnp.uint16).astype(jnp.uint32)
        u2 = jax.lax.bitcast_convert_type(a[:, Hh:],
                                          jnp.uint16).astype(jnp.uint32)
        r_ref[...] = u1 | (u2 << 16)

    return pl.pallas_call(
        body,
        grid=(V // VB,),
        in_specs=[
            pl.BlockSpec((VB, E), lambda i: (i, 0)),
            pl.BlockSpec((E, H), lambda i: (0, 0)),
            pl.BlockSpec((1, H), lambda i: (0, 0)),
        ],
        out_specs=pl.BlockSpec((VB, Hh), lambda i: (i, 0)),
        out_shape=jax.ShapeDtypeStruct((V, Hh), jnp.uint32),
    )(emb.astype(jnp.bfloat16), W_rot.T.astype(jnp.bfloat16),
      b_rot.reshape(1, H))


def _segment_sums(x_flat, R, S, L, H):
    seg_per_w = S // _NW
    LA = 128
    LB = L - LA
    Hh = H // 2
    HW = Hh // 16
    mesh = plsc.VectorSubcoreMesh(core_axis_name="c", subcore_axis_name="s")

    @functools.partial(
        pl.kernel,
        out_type=jax.ShapeDtypeStruct((S, H), jnp.float32),
        mesh=mesh,
        scratch_types=[
            pltpu.VMEM((seg_per_w * L,), jnp.int32),
            pltpu.VMEM((L, Hh), jnp.uint32),
            pltpu.VMEM((L, Hh), jnp.uint32),
            pltpu.VMEM((L, Hh), jnp.uint32),
            pltpu.VMEM((H,), jnp.float32),
            pltpu.SemaphoreType.DMA,
            pltpu.SemaphoreType.DMA,
            pltpu.SemaphoreType.DMA,
        ],
    )
    def seg_sum(x_hbm, r_hbm, out_hbm,
                idx_all, rows0, rows1, rows2, acc_v, sem0, sem1, sem2):
        wid = lax.axis_index("s") * _NC + lax.axis_index("c")
        base = wid * seg_per_w
        slots = ((rows0, sem0), (rows1, sem1), (rows2, sem2))
        NB = len(slots)

        pltpu.sync_copy(
            x_hbm.at[pl.ds(pl.multiple_of(wid * seg_per_w * L, 8),
                           seg_per_w * L)], idx_all)

        def fetch(slot, k):
            rows, sem = slot
            off = pl.multiple_of(k * L, 8)
            pltpu.async_copy(r_hbm.at[idx_all.at[pl.ds(off, LA)]],
                             rows.at[pl.ds(0, LA)], sem)
            pltpu.async_copy(r_hbm.at[idx_all.at[pl.ds(off + LA, LB)]],
                             rows.at[pl.ds(LA, LB)], sem)

        def wait(slot, k):
            rows, sem = slot
            off = pl.multiple_of(k * L, 8)
            pltpu.make_async_copy(r_hbm.at[idx_all.at[pl.ds(off, LA)]],
                                  rows.at[pl.ds(0, LA)], sem).wait()
            pltpu.make_async_copy(r_hbm.at[idx_all.at[pl.ds(off + LA, LB)]],
                                  rows.at[pl.ds(LA, LB)], sem).wait()

        def consume(slot, k):
            rows = slot[0]

            def body(g, carry):
                new = list(carry)
                for s in range(2):
                    l = 2 * g + s
                    for c in range(HW):
                        u = rows[l, pl.ds(16 * c, 16)]
                        lo = lax.bitcast_convert_type(u << 16, jnp.float32)
                        hi = lax.bitcast_convert_type(u, jnp.float32)
                        new[2 * c] = new[2 * c] + lo
                        new[2 * c + 1] = new[2 * c + 1] + hi
                return tuple(new)

            acc = lax.fori_loop(
                0, L // 2, body,
                tuple(jnp.zeros((16,), jnp.float32) for _ in range(2 * HW)))
            for c in range(HW):
                acc_v[pl.ds(16 * c, 16)] = acc[2 * c]
                acc_v[pl.ds(Hh + 16 * c, 16)] = acc[2 * c + 1]
            pltpu.sync_copy(acc_v, out_hbm.at[base + k])

        for j in range(NB):
            fetch(slots[j], j)

        def turn(g, carry):
            for par in range(NB):
                k = g * NB + par
                cur = slots[par]
                wait(cur, k)
                consume(cur, k)

                @pl.when(k + NB < seg_per_w)
                def _():
                    fetch(cur, k + NB)

            return carry

        lax.fori_loop(0, seg_per_w // NB, turn, 0)
        for k in range((seg_per_w // NB) * NB, seg_per_w):
            wait(slots[k % NB], k)
            consume(slots[k % NB], k)

    return seg_sum(x_flat, R)


def _mlp_head(prem, hypo, W1, b1, W2, b2, labels):
    B, H = prem.shape
    H2 = 2 * H
    C = W2.shape[0]
    CP = 128
    BT = 512

    W2Tp = jnp.zeros((H2, CP), jnp.float32).at[:, :C].set(W2.T)
    b2p = jnp.zeros((1, CP), jnp.float32).at[0, :C].set(b2)
    onehot = (labels[:, None] ==
              jnp.arange(CP, dtype=labels.dtype)[None, :]).astype(jnp.float32)

    def body(p_ref, h_ref, w1_ref, b1_ref, w2_ref, b2_ref, oh_ref,
             logits_ref, loss_ref):
        i = pl.program_id(0)
        enc = jnp.concatenate([p_ref[...], h_ref[...]], axis=1)
        h1 = jnp.maximum(
            jnp.dot(enc, w1_ref[...], preferred_element_type=jnp.float32)
            + b1_ref[...], 0.0)
        logits = jnp.dot(h1, w2_ref[...],
                         preferred_element_type=jnp.float32) + b2_ref[...]
        logits_ref[...] = logits

        col = lax.broadcasted_iota(jnp.int32, (BT, CP), 1)
        valid = col < C
        lm = jnp.where(valid, logits, jnp.float32(-1e30))
        m = jnp.max(lm, axis=1, keepdims=True)
        e = jnp.where(valid, jnp.exp(logits - m), 0.0)
        se = jnp.sum(e, axis=1, keepdims=True)
        logp = logits - m - jnp.log(se)
        picked = jnp.sum(jnp.where(valid, logp * oh_ref[...], 0.0))

        @pl.when(i == 0)
        def _():
            loss_ref[...] = jnp.zeros((1, 1), jnp.float32)

        loss_ref[...] = loss_ref[...] + picked.reshape(1, 1)

        @pl.when(i == pl.num_programs(0) - 1)
        def _():
            loss_ref[...] = loss_ref[...] * jnp.float32(-1.0 / B)

    logits_pad, loss = pl.pallas_call(
        body,
        grid=(B // BT,),
        in_specs=[
            pl.BlockSpec((BT, H), lambda i: (i, 0)),
            pl.BlockSpec((BT, H), lambda i: (i, 0)),
            pl.BlockSpec((H2, H2), lambda i: (0, 0)),
            pl.BlockSpec((1, H2), lambda i: (0, 0)),
            pl.BlockSpec((H2, CP), lambda i: (0, 0)),
            pl.BlockSpec((1, CP), lambda i: (0, 0)),
            pl.BlockSpec((BT, CP), lambda i: (i, 0)),
        ],
        out_specs=[
            pl.BlockSpec((BT, CP), lambda i: (i, 0)),
            pl.BlockSpec((1, 1), lambda i: (0, 0)),
        ],
        out_shape=[
            jax.ShapeDtypeStruct((B, CP), jnp.float32),
            jax.ShapeDtypeStruct((1, 1), jnp.float32),
        ],
    )(prem, hypo, W1.T, b1.reshape(1, H2), W2Tp, b2p, onehot)
    return loss[0, 0], logits_pad[:, :C]


def kernel(x1, x1_mask, x2, x2_mask, labels, emb, W_rot, b_rot, W1, b1, W2, b2):
    B, L = x1.shape
    H = W_rot.shape[0]

    R = _rotate_relu_table(emb, W_rot, b_rot)

    x_flat = jnp.concatenate([x1, x2], axis=0).reshape(-1).astype(jnp.int32)
    pooled = _segment_sums(x_flat, R, 2 * B, L, H)

    loss, logits = _mlp_head(pooled[:B], pooled[B:], W1, b1, W2, b2, labels)
    return (loss, logits)

# --- scband reference (transcript-rebuilt; emitter-appended) ---
"""Pipeline reference for scband-bowmodel-23699629540159 (READ-ONLY COPY).

The authoritative reference and input builder live on the scoring server;
editing this copy changes nothing except your own understanding.
"""

import jax, jax.numpy as jnp
import numpy as np

B, L, V, E, H, C = 4096, 200, 100000, 64, 256, 3


def setup_inputs(seed: int = 0) -> dict:
    key = jax.random.key(seed)
    ks = jax.random.split(key, 10)
    x1 = jax.random.randint(ks[0], (B, L), 0, V)
    x2 = jax.random.randint(ks[1], (B, L), 0, V)
    x1_mask = jnp.ones((B, L), dtype=jnp.float32)
    x2_mask = jnp.ones((B, L), dtype=jnp.float32)
    labels = jax.random.randint(ks[2], (B,), 0, C)
    emb = jax.random.normal(ks[3], (V, E), dtype=jnp.float32) * 0.02
    W_rot = jax.random.normal(ks[4], (H, E), dtype=jnp.float32) * (1.0 / np.sqrt(E))
    b_rot = jnp.zeros((H,), dtype=jnp.float32)
    W1 = jax.random.normal(ks[5], (2 * H, 2 * H), dtype=jnp.float32) * (1.0 / np.sqrt(2 * H))
    b1 = jnp.zeros((2 * H,), dtype=jnp.float32)
    W2 = jax.random.normal(ks[6], (C, 2 * H), dtype=jnp.float32) * (1.0 / np.sqrt(2 * H))
    b2 = jnp.zeros((C,), dtype=jnp.float32)
    return {"x1": x1, "x1_mask": x1_mask, "x2": x2, "x2_mask": x2_mask, "labels": labels,
            "emb": emb, "W_rot": W_rot, "b_rot": b_rot, "W1": W1, "b1": b1, "W2": W2, "b2": b2}


def reference(x1, x1_mask, x2, x2_mask, labels, emb, W_rot, b_rot, W1, b1, W2, b2):
    # BOWModel forward (eval mode: dropout is identity)
    def encode(x, mask):
        vecs = jnp.take(emb, x, axis=0)            # embedding lookup [B, L, E]
        vecs = vecs @ W_rot.T + b_rot              # rotation -> [B, L, H]
        z1 = jax.nn.relu(vecs)
        z1 = z1 * mask[..., None]
        return jnp.sum(z1, axis=-2)                # [B, H]

    prem = encode(x1, x1_mask)
    hypo = encode(x2, x2_mask)
    enc = jnp.concatenate([prem, hypo], axis=-1)   # [B, 2H]
    h1 = jax.nn.relu(enc @ W1.T + b1)
    logits = h1 @ W2.T + b2                        # [B, C]
    logp = jax.nn.log_softmax(logits, axis=-1)
    loss = -jnp.mean(jnp.take_along_axis(logp, labels[:, None], axis=1)[:, 0])
    return (loss, logits)

if __name__ == "__main__":
    import jax
    _d = setup_inputs()
    print(jax.jit(kernel)(*tuple(_d.values())))

</pallas_src>

<mosaic_0001>
#map = affine_map<(d0, d1) -> (0)>
#map1 = affine_map<(d0, d1) -> (0, 0)>
module attributes {stable_mosaic.version = 14 : i64} {
  func.func @seg_sum(%arg0: i32, %arg1: i32, %arg2: memref<1638400xi32, #tpu.memory_space<hbm>>, %arg3: memref<100000x128xi32, #tpu.memory_space<hbm>>, %arg4: memref<8192x256xf32, #tpu.memory_space<hbm>>, %arg5: memref<51200xi32, #tpu.memory_space<vmem>>, %arg6: memref<200x128xi32, #tpu.memory_space<vmem>>, %arg7: memref<200x128xi32, #tpu.memory_space<vmem>>, %arg8: memref<200x128xi32, #tpu.memory_space<vmem>>, %arg9: memref<256xf32, #tpu.memory_space<vmem>>, %arg10: memref<!tpu.dma_semaphore, #tpu.memory_space<semaphore_mem>>, %arg11: memref<!tpu.dma_semaphore, #tpu.memory_space<semaphore_mem>>, %arg12: memref<!tpu.dma_semaphore, #tpu.memory_space<semaphore_mem>>) attributes {dimension_semantics = [#tpu.dimension_semantics<core_parallel>, #tpu.dimension_semantics<subcore_parallel>], iteration_bounds = array<i64: 2, 16>, scalar_prefetch = 0 : i64, scratch_operands = 8 : i64, tpu.core_type = #tpu.core_type<sc_vector_subcore>, window_params = [{transform_indices = #map}, {transform_indices = #map1}, {transform_indices = #map1}]} {
    %mul3A = arith.constant 2 : i32
    %mul3A_0 = arith.muli %arg1, %mul3A : i32
    %add3A = arith.addi %mul3A_0, %arg0 : i32
    %mul3A_1 = arith.constant 256 : i32
    %mul3A_2 = arith.muli %add3A, %mul3A_1 : i32
    %mul3A_3 = arith.constant 256 : i32
    %mul3A_4 = arith.muli %add3A, %mul3A_3 : i32
    %mul3A_5 = arith.constant 200 : i32
    %mul3A_6 = arith.muli %mul3A_4, %mul3A_5 : i32
    %multiple_of3A = tpu.assume_multiple %mul3A_6, 8 : i32
    "tpu.region"() ({
      %run_scoped3A = tpu.sem_alloc : memref<!tpu.dma_semaphore, #tpu.memory_space<semaphore_mem>>
      %dma_start3A_184 = tpu.memref_slice %arg2[%multiple_of3A] : memref<1638400xi32, #tpu.memory_space<hbm>> -> memref<51200xi32, #tpu.memory_space<hbm>>
      %dma_start3A_185 = tpu.memref_slice %arg2[%multiple_of3A] : memref<1638400xi32, #tpu.memory_space<hbm>> -> memref<51200xi32, #tpu.memory_space<hbm>>
      tpu.enqueue_dma source(%dma_start3A_185 : memref<51200xi32, #tpu.memory_space<hbm>>) target(%arg5 : memref<51200xi32, #tpu.memory_space<vmem>>) target_semaphore(%run_scoped3A : memref<!tpu.dma_semaphore, #tpu.memory_space<semaphore_mem>>)
      %dma_wait3A_186 = tpu.memref_slice %arg2[%multiple_of3A] : memref<1638400xi32, #tpu.memory_space<hbm>> -> memref<51200xi32, #tpu.memory_space<hbm>>
      %dma_wait3A_187 = tpu.memref_slice %arg2[%multiple_of3A] : memref<1638400xi32, #tpu.memory_space<hbm>> -> memref<51200xi32, #tpu.memory_space<hbm>>
      tpu.wait_dma2 semaphore(%run_scoped3A : memref<!tpu.dma_semaphore, #tpu.memory_space<semaphore_mem>>) src(%dma_wait3A_187 : memref<51200xi32, #tpu.memory_space<hbm>>) dst(%arg5 : memref<51200xi32, #tpu.memory_space<vmem>>)
      tpu.yield
    }) : () -> ()
    %multiple_of3A_7 = arith.constant 0 : i32
    %multiple_of3A_8 = tpu.assume_multiple %multiple_of3A_7, 8 : i32
    %dma_start3A = arith.constant 0 : i32
    %dma_start3A_9 = arith.constant 0 : i32
    %dma_start3A_10 = tpu.memref_slice %arg6[%dma_start3A, %dma_start3A_9] : memref<200x128xi32, #tpu.memory_space<vmem>> -> memref<128x128xi32, #tpu.memory_space<vmem>>
    %dma_start3A_11 = tpu.memref_slice %arg5[%multiple_of3A_8] : memref<51200xi32, #tpu.memory_space<vmem>> -> memref<128xi32, #tpu.memory_space<vmem>>
    %dma_start3A_12 = arith.constant 0 : i32
    %dma_start3A_13 = arith.constant 0 : i32
    %dma_start3A_14 = tpu.memref_slice %arg3[%dma_start3A_12, %dma_start3A_13] : memref<100000x128xi32, #tpu.memory_space<hbm>> -> memref<100000x128xi32, #tpu.memory_space<hbm>>
    tpu.enqueue_indirect_dma source(%dma_start3A_14 : memref<100000x128xi32, #tpu.memory_space<hbm>>) target(%dma_start3A_10 : memref<128x128xi32, #tpu.memory_space<vmem>>) offsets(%dma_start3A_11 : memref<128xi32, #tpu.memory_space<vmem>>) semaphore(%arg10 : memref<!tpu.dma_semaphore, #tpu.memory_space<semaphore_mem>>)
    %add3A_15 = arith.constant 128 : i32
    %add3A_16 = arith.addi %multiple_of3A_8, %add3A_15 : i32
    %dma_start3A_17 = arith.constant 128 : i32
    %dma_start3A_18 = arith.constant 0 : i32
    %dma_start3A_19 = tpu.memref_slice %arg6[%dma_start3A_17, %dma_start3A_18] : memref<200x128xi32, #tpu.memory_space<vmem>> -> memref<72x128xi32, #tpu.memory_space<vmem>>
    %dma_start3A_20 = tpu.memref_slice %arg5[%add3A_16] : memref<51200xi32, #tpu.memory_space<vmem>> -> memref<72xi32, #tpu.memory_space<vmem>>
    %dma_start3A_21 = arith.constant 0 : i32
    %dma_start3A_22 = arith.constant 0 : i32
    %dma_start3A_23 = tpu.memref_slice %arg3[%dma_start3A_21, %dma_start3A_22] : memref<100000x128xi32, #tpu.memory_space<hbm>> -> memref<100000x128xi32, #tpu.memory_space<hbm>>
    tpu.enqueue_indirect_dma source(%dma_start3A_23 : memref<100000x128xi32, #tpu.memory_space<hbm>>) target(%dma_start3A_19 : memref<72x128xi32, #tpu.memory_space<vmem>>) offsets(%dma_start3A_20 : memref<72xi32, #tpu.memory_space<vmem>>) semaphore(%arg10 : memref<!tpu.dma_semaphore, #tpu.memory_space<semaphore_mem>>)
    %multiple_of3A_24 = arith.constant 200 : i32
    %multiple_of3A_25 = tpu.assume_multiple %multiple_of3A_24, 8 : i32
    %dma_start3A_26 = arith.constant 0 : i32
    %dma_start3A_27 = arith.constant 0 : i32
    %dma_start3A_28 = tpu.memref_slice %arg7[%dma_start3A_26, %dma_start3A_27] : memref<200x128xi32, #tpu.memory_space<vmem>> -> memref<128x128xi32, #tpu.memory_space<vmem>>
    %dma_start3A_29 = tpu.memref_slice %arg5[%multiple_of3A_25] : memref<51200xi32, #tpu.memory_space<vmem>> -> memref<128xi32, #tpu.memory_space<vmem>>
    %dma_start3A_30 = arith.constant 0 : i32
    %dma_start3A_31 = arith.constant 0 : i32
    %dma_start3A_32 = tpu.memref_slice %arg3[%dma_start3A_30, %dma_start3A_31] : memref<100000x128xi32, #tpu.memory_space<hbm>> -> memref<100000x128xi32, #tpu.memory_space<hbm>>
    tpu.enqueue_indirect_dma source(%dma_start3A_32 : memref<100000x128xi32, #tpu.memory_space<hbm>>) target(%dma_start3A_28 : memref<128x128xi32, #tpu.memory_space<vmem>>) offsets(%dma_start3A_29 : memref<128xi32, #tpu.memory_space<vmem>>) semaphore(%arg11 : memref<!tpu.dma_semaphore, #tpu.memory_space<semaphore_mem>>)
    %add3A_33 = arith.constant 128 : i32
    %add3A_34 = arith.addi %multiple_of3A_25, %add3A_33 : i32
    %dma_start3A_35 = arith.constant 128 : i32
    %dma_start3A_36 = arith.constant 0 : i32
    %dma_start3A_37 = tpu.memref_slice %arg7[%dma_start3A_35, %dma_start3A_36] : memref<200x128xi32, #tpu.memory_space<vmem>> -> memref<72x128xi32, #tpu.memory_space<vmem>>
    %dma_start3A_38 = tpu.memref_slice %arg5[%add3A_34] : memref<51200xi32, #tpu.memory_space<vmem>> -> memref<72xi32, #tpu.memory_space<vmem>>
    %dma_start3A_39 = arith.constant 0 : i32
    %dma_start3A_40 = arith.constant 0 : i32
    %dma_start3A_41 = tpu.memref_slice %arg3[%dma_start3A_39, %dma_start3A_40] : memref<100000x128xi32, #tpu.memory_space<hbm>> -> memref<100000x128xi32, #tpu.memory_space<hbm>>
    tpu.enqueue_indirect_dma source(%dma_start3A_41 : memref<100000x128xi32, #tpu.memory_space<hbm>>) target(%dma_start3A_37 : memref<72x128xi32, #tpu.memory_space<vmem>>) offsets(%dma_start3A_38 : memref<72xi32, #tpu.memory_space<vmem>>) semaphore(%arg11 : memref<!tpu.dma_semaphore, #tpu.memory_space<semaphore_mem>>)
    %multiple_of3A_42 = arith.constant 400 : i32
    %multiple_of3A_43 = tpu.assume_multiple %multiple_of3A_42, 8 : i32
    %dma_start3A_44 = arith.constant 0 : i32
    %dma_start3A_45 = arith.constant 0 : i32
    %dma_start3A_46 = tpu.memref_slice %arg8[%dma_start3A_44, %dma_start3A_45] : memref<200x128xi32, #tpu.memory_space<vmem>> -> memref<128x128xi32, #tpu.memory_space<vmem>>
    %dma_start3A_47 = tpu.memref_slice %arg5[%multiple_of3A_43] : memref<51200xi32, #tpu.memory_space<vmem>> -> memref<128xi32, #tpu.memory_space<vmem>>
    %dma_start3A_48 = arith.constant 0 : i32
    %dma_start3A_49 = arith.constant 0 : i32
    %dma_start3A_50 = tpu.memref_slice %arg3[%dma_start3A_48, %dma_start3A_49] : memref<100000x128xi32, #tpu.memory_space<hbm>> -> memref<100000x128xi32, #tpu.memory_space<hbm>>
    tpu.enqueue_indirect_dma source(%dma_start3A_50 : memref<100000x128xi32, #tpu.memory_space<hbm>>) target(%dma_start3A_46 : memref<128x128xi32, #tpu.memory_space<vmem>>) offsets(%dma_start3A_47 : memref<128xi32, #tpu.memory_space<vmem>>) semaphore(%arg12 : memref<!tpu.dma_semaphore, #tpu.memory_space<semaphore_mem>>)
    %add3A_51 = arith.constant 128 : i32
    %add3A_52 = arith.addi %multiple_of3A_43, %add3A_51 : i32
    %dma_start3A_53 = arith.constant 128 : i32
    %dma_start3A_54 = arith.constant 0 : i32
    %dma_start3A_55 = tpu.memref_slice %arg8[%dma_start3A_53, %dma_start3A_54] : memref<200x128xi32, #tpu.memory_space<vmem>> -> memref<72x128xi32, #tpu.memory_space<vmem>>
    %dma_start3A_56 = tpu.memref_slice %arg5[%add3A_52] : memref<51200xi32, #tpu.memory_space<vmem>> -> memref<72xi32, #tpu.memory_space<vmem>>
    %dma_start3A_57 = arith.constant 0 : i32
    %dma_start3A_58 = arith.constant 0 : i32
    %dma_start3A_59 = tpu.memref_slice %arg3[%dma_start3A_57, %dma_start3A_58] : memref<100000x128xi32, #tpu.memory_space<hbm>> -> memref<100000x128xi32, #tpu.memory_space<hbm>>
    tpu.enqueue_indirect_dma source(%dma_start3A_59 : memref<100000x128xi32, #tpu.memory_space<hbm>>) target(%dma_start3A_55 : memref<72x128xi32, #tpu.memory_space<vmem>>) offsets(%dma_start3A_56 : memref<72xi32, #tpu.memory_space<vmem>>) semaphore(%arg12 : memref<!tpu.dma_semaphore, #tpu.memory_space<semaphore_mem>>)
    %scan3A = arith.constant 0 : i32
    %scan3A_60 = arith.constant 0 : i32
    %scan3A_61 = arith.constant 85 : i32
    %scan3A_62 = arith.addi %scan3A_60, %scan3A_61 : i32
    %scan3A_63 = arith.constant 1 : i32
    scf.for %scan3A_184 = %scan3A_60 to %scan3A_62 step %scan3A_63  : i32 {
      %mul3A_185 = arith.constant 3 : i32
      %mul3A_186 = arith.muli %scan3A_184, %mul3A_185 : i32
      %add3A_187 = arith.constant 0 : i32
      %add3A_188 = arith.addi %mul3A_186, %add3A_187 : i32
      %mul3A_189 = arith.constant 200 : i32
      %mul3A_190 = arith.muli %add3A_188, %mul3A_189 : i32
      %multiple_of3A_191 = tpu.assume_multiple %mul3A_190, 8 : i32
      %dma_wait3A_192 = arith.constant 0 : i32
      %dma_wait3A_193 = arith.constant 0 : i32
      %dma_wait3A_194 = tpu.memref_slice %arg6[%dma_wait3A_192, %dma_wait3A_193] : memref<200x128xi32, #tpu.memory_space<vmem>> -> memref<128x128xi32, #tpu.memory_space<vmem>>
      %dma_wait3A_195 = tpu.memref_slice %arg5[%multiple_of3A_191] : memref<51200xi32, #tpu.memory_space<vmem>> -> memref<128xi32, #tpu.memory_space<vmem>>
      %dma_wait3A_196 = arith.constant 0 : i32
      %dma_wait3A_197 = arith.constant 0 : i32
      %dma_wait3A_198 = tpu.memref_slice %arg3[%dma_wait3A_196, %dma_wait3A_197] : memref<100000x128xi32, #tpu.memory_space<hbm>> -> memref<100000x128xi32, #tpu.memory_space<hbm>>
      tpu.wait_indirect_dma semaphore(%arg10 : memref<!tpu.dma_semaphore, #tpu.memory_space<semaphore_mem>>) src(%dma_wait3A_198 : memref<100000x128xi32, #tpu.memory_space<hbm>>) dst(%dma_wait3A_194 : memref<128x128xi32, #tpu.memory_space<vmem>>)
      %add3A_199 = arith.constant 128 : i32
      %add3A_200 = arith.addi %multiple_of3A_191, %add3A_199 : i32
      %dma_wait3A_201 = arith.constant 128 : i32
      %dma_wait3A_202 = arith.constant 0 : i32
      %dma_wait3A_203 = tpu.memref_slice %arg6[%dma_wait3A_201, %dma_wait3A_202] : memref<200x128xi32, #tpu.memory_space<vmem>> -> memref<72x128xi32, #tpu.memory_space<vmem>>
      %dma_wait3A_204 = tpu.memref_slice %arg5[%add3A_200] : memref<51200xi32, #tpu.memory_space<vmem>> -> memref<72xi32, #tpu.memory_space<vmem>>
      %dma_wait3A_205 = arith.constant 0 : i32
      %dma_wait3A_206 = arith.constant 0 : i32
      %dma_wait3A_207 = tpu.memref_slice %arg3[%dma_wait3A_205, %dma_wait3A_206] : memref<100000x128xi32, #tpu.memory_space<hbm>> -> memref<100000x128xi32, #tpu.memory_space<hbm>>
      tpu.wait_indirect_dma semaphore(%arg10 : memref<!tpu.dma_semaphore, #tpu.memory_space<semaphore_mem>>) src(%dma_wait3A_207 : memref<100000x128xi32, #tpu.memory_space<hbm>>) dst(%dma_wait3A_203 : memref<72x128xi32, #tpu.memory_space<vmem>>)
      %broadcast_in_dim3A_208 = arith.constant 0.000000e+00 : f32
      %broadcast_in_dim3A_209 = vector.broadcast %broadcast_in_dim3A_208 : f32 to vector<16xf32>
      %broadcast_in_dim3A_210 = arith.constant 0.000000e+00 : f32
      %broadcast_in_dim3A_211 = vector.broadcast %broadcast_in_dim3A_210 : f32 to vector<16xf32>
      %broadcast_in_dim3A_212 = arith.constant 0.000000e+00 : f32
      %broadcast_in_dim3A_213 = vector.broadcast %broadcast_in_dim3A_212 : f32 to vector<16xf32>
      %broadcast_in_dim3A_214 = arith.constant 0.000000e+00 : f32
      %broadcast_in_dim3A_215 = vector.broadcast %broadcast_in_dim3A_214 : f32 to vector<16xf32>
      %broadcast_in_dim3A_216 = arith.constant 0.000000e+00 : f32
      %broadcast_in_dim3A_217 = vector.broadcast %broadcast_in_dim3A_216 : f32 to vector<16xf32>
      %broadcast_in_dim3A_218 = arith.constant 0.000000e+00 : f32
      %broadcast_in_dim3A_219 = vector.broadcast %broadcast_in_dim3A_218 : f32 to vector<16xf32>
      %broadcast_in_dim3A_220 = arith.constant 0.000000e+00 : f32
      %broadcast_in_dim3A_221 = vector.broadcast %broadcast_in_dim3A_220 : f32 to vector<16xf32>
      %broadcast_in_dim3A_222 = arith.constant 0.000000e+00 : f32
      %broadcast_in_dim3A_223 = vector.broadcast %broadcast_in_dim3A_222 : f32 to vector<16xf32>
      %broadcast_in_dim3A_224 = arith.constant 0.000000e+00 : f32
      %broadcast_in_dim3A_225 = vector.broadcast %broadcast_in_dim3A_224 : f32 to vector<16xf32>
      %broadcast_in_dim3A_226 = arith.constant 0.000000e+00 : f32
      %broadcast_in_dim3A_227 = vector.broadcast %broadcast_in_dim3A_226 : f32 to vector<16xf32>
      %broadcast_in_dim3A_228 = arith.constant 0.000000e+00 : f32
      %broadcast_in_dim3A_229 = vector.broadcast %broadcast_in_dim3A_228 : f32 to vector<16xf32>
      %broadcast_in_dim3A_230 = arith.constant 0.000000e+00 : f32
      %broadcast_in_dim3A_231 = vector.broadcast %broadcast_in_dim3A_230 : f32 to vector<16xf32>
      %broadcast_in_dim3A_232 = arith.constant 0.000000e+00 : f32
      %broadcast_in_dim3A_233 = vector.broadcast %broadcast_in_dim3A_232 : f32 to vector<16xf32>
      %broadcast_in_dim3A_234 = arith.constant 0.000000e+00 : f32
      %broadcast_in_dim3A_235 = vector.broadcast %broadcast_in_dim3A_234 : f32 to vector<16xf32>
      %broadcast_in_dim3A_236 = arith.constant 0.000000e+00 : f32
      %broadcast_in_dim3A_237 = vector.broadcast %broadcast_in_dim3A_236 : f32 to vector<16xf32>
      %broadcast_in_dim3A_238 = arith.constant 0.000000e+00 : f32
      %broadcast_in_dim3A_239 = vector.broadcast %broadcast_in_dim3A_238 : f32 to vector<16xf32>
      %scan3A_240 = arith.constant 0 : i32
      %scan3A_241 = arith.constant 100 : i32
      %scan3A_242 = arith.addi %scan3A_240, %scan3A_241 : i32
      %scan3A_243 = arith.constant 1 : i32
      %scan3A_244:16 = scf.for %scan3A_581 = %scan3A_240 to %scan3A_242 step %scan3A_243 iter_args(%scan3A_582 = %broadcast_in_dim3A_209, %scan3A_583 = %broadcast_in_dim3A_211, %scan3A_584 = %broadcast_in_dim3A_213, %scan3A_585 = %broadcast_in_dim3A_215, %scan3A_586 = %broadcast_in_dim3A_217, %scan3A_587 = %broadcast_in_dim3A_219, %scan3A_588 = %broadcast_in_dim3A_221, %scan3A_589 = %broadcast_in_dim3A_223, %scan3A_590 = %broadcast_in_dim3A_225, %scan3A_591 = %broadcast_in_dim3A_227, %scan3A_592 = %broadcast_in_dim3A_229, %scan3A_593 = %broadcast_in_dim3A_231, %scan3A_594 = %broadcast_in_dim3A_233, %scan3A_595 = %broadcast_in_dim3A_235, %scan3A_596 = %broadcast_in_dim3A_237, %scan3A_597 = %broadcast_in_dim3A_239) -> (vector<16xf32>, vector<16xf32>, vector<16xf32>, vector<16xf32>, vector<16xf32>, vector<16xf32>, vector<16xf32>, vector<16xf32>, vector<16xf32>, vector<16xf32>, vector<16xf32>, vector<16xf32>, vector<16xf32>, vector<16xf32>, vector<16xf32>, vector<16xf32>)  : i32 {
        %mul3A_598 = arith.constant 2 : i32
        %mul3A_599 = arith.muli %mul3A_598, %scan3A_581 : i32
        %add3A_600 = arith.constant 0 : i32
        %add3A_601 = arith.addi %mul3A_599, %add3A_600 : i32
        %get3A = arith.index_cast %add3A_601 : i32 to index
        %get3A_602 = arith.constant 0 : index
        %get3A_603 = tpu.vector_load %arg6[%get3A, %get3A_602] {strides = array<i32>} : memref<200x128xi32, #tpu.memory_space<vmem>>, vector<1x16xi32>,
        %get3A_604 = vector.shape_cast %get3A_603 : vector<1x16xi32> to vector<16xi32>
        %shift_left3A = arith.constant 16 : i32
        %shift_left3A_605 = vector.broadcast %shift_left3A : i32 to vector<16xi32>
        %shift_left3A_606 = arith.shli %get3A_604, %shift_left3A_605 : vector<16xi32>
        %bitcast_convert_type3A = tpu.bitcast %shift_left3A_606 : vector<16xi32> -> vector<16xf32>
        %bitcast_convert_type3A_607 = tpu.bitcast %get3A_604 : vector<16xi32> -> vector<16xf32>
        %add3A_608 = arith.addf %scan3A_582, %bitcast_convert_type3A : vector<16xf32>
        %add3A_609 = arith.addf %scan3A_583, %bitcast_convert_type3A_607 : vector<16xf32>
        %get3A_610 = arith.index_cast %add3A_601 : i32 to index
        %get3A_611 = arith.constant 16 : index
        %get3A_612 = tpu.vector_load %arg6[%get3A_610, %get3A_611] {strides = array<i32>} : memref<200x128xi32, #tpu.memory_space<vmem>>, vector<1x16xi32>,
        %get3A_613 = vector.shape_cast %get3A_612 : vector<1x16xi32> to vector<16xi32>
        %shift_left3A_614 = arith.constant 16 : i32
        %shift_left3A_615 = vector.broadcast %shift_left3A_614 : i32 to vector<16xi32>
        %shift_left3A_616 = arith.shli %get3A_613, %shift_left3A_615 : vector<16xi32>
        %bitcast_convert_type3A_617 = tpu.bitcast %shift_left3A_616 : vector<16xi32> -> vector<16xf32>
        %bitcast_convert_type3A_618 = tpu.bitcast %get3A_613 : vector<16xi32> -> vector<16xf32>
        %add3A_619 = arith.addf %scan3A_584, %bitcast_convert_type3A_617 : vector<16xf32>
        %add3A_620 = arith.addf %scan3A_585, %bitcast_convert_type3A_618 : vector<16xf32>
        %get3A_621 = arith.index_cast %add3A_601 : i32 to index
        %get3A_622 = arith.constant 32 : index
        %get3A_623 = tpu.vector_load %arg6[%get3A_621, %get3A_622] {strides = array<i32>} : memref<200x128xi32, #tpu.memory_space<vmem>>, vector<1x16xi32>,
        %get3A_624 = vector.shape_cast %get3A_623 : vector<1x16xi32> to vector<16xi32>
        %shift_left3A_625 = arith.constant 16 : i32
        %shift_left3A_626 = vector.broadcast %shift_left3A_625 : i32 to vector<16xi32>
        %shift_left3A_627 = arith.shli %get3A_624, %shift_left3A_626 : vector<16xi32>
        %bitcast_convert_type3A_628 = tpu.bitcast %shift_left3A_627 : vector<16xi32> -> vector<16xf32>
        %bitcast_convert_type3A_629 = tpu.bitcast %get3A_624 : vector<16xi32> -> vector<16xf32>
        %add3A_630 = arith.addf %scan3A_586, %bitcast_convert_type3A_628 : vector<16xf32>
        %add3A_631 = arith.addf %scan3A_587, %bitcast_convert_type3A_629 : vector<16xf32>
        %get3A_632 = arith.index_cast %add3A_601 : i32 to index
        %get3A_633 = arith.constant 48 : index
        %get3A_634 = tpu.vector_load %arg6[%get3A_632, %get3A_633] {strides = array<i32>} : memref<200x128xi32, #tpu.memory_space<vmem>>, vector<1x16xi32>,
        %get3A_635 = vector.shape_cast %get3A_634 : vector<1x16xi32> to vector<16xi32>
        %shift_left3A_636 = arith.constant 16 : i32
        %shift_left3A_637 = vector.broadcast %shift_left3A_636 : i32 to vector<16xi32>
        %shift_left3A_638 = arith.shli %get3A_635, %shift_left3A_637 : vector<16xi32>
        %bitcast_convert_type3A_639 = tpu.bitcast %shift_left3A_638 : vector<16xi32> -> vector<16xf32>
        %bitcast_convert_type3A_640 = tpu.bitcast %get3A_635 : vector<16xi32> -> vector<16xf32>
        %add3A_641 = arith.addf %scan3A_588, %bitcast_convert_type3A_639 : vector<16xf32>
        %add3A_642 = arith.addf %scan3A_589, %bitcast_convert_type3A_640 : vector<16xf32>
        %get3A_643 = arith.index_cast %add3A_601 : i32 to index
        %get3A_644 = arith.constant 64 : index
        %get3A_645 = tpu.vector_load %arg6[%get3A_643, %get3A_644] {strides = array<i32>} : memref<200x128xi32, #tpu.memory_space<vmem>>, vector<1x16xi32>,
        %get3A_646 = vector.shape_cast %get3A_645 : vector<1x16xi32> to vector<16xi32>
        %shift_left3A_647 = arith.constant 16 : i32
        %shift_left3A_648 = vector.broadcast %shift_left3A_647 : i32 to vector<16xi32>
        %shift_left3A_649 = arith.shli %get3A_646, %shift_left3A_648 : vector<16xi32>
        %bitcast_convert_type3A_650 = tpu.bitcast %shift_left3A_649 : vector<16xi32> -> vector<16xf32>
        %bitcast_convert_type3A_651 = tpu.bitcast %get3A_646 : vector<16xi32> -> vector<16xf32>
        %add3A_652 = arith.addf %scan3A_590, %bitcast_convert_type3A_650 : vector<16xf32>
        %add3A_653 = arith.addf %scan3A_591, %bitcast_convert_type3A_651 : vector<16xf32>
        %get3A_654 = arith.index_cast %add3A_601 : i32 to index
        %get3A_655 = arith.constant 80 : index
        %get3A_656 = tpu.vector_load %arg6[%get3A_654, %get3A_655] {strides = array<i32>} : memref<200x128xi32, #tpu.memory_space<vmem>>, vector<1x16xi32>,
        %get3A_657 = vector.shape_cast %get3A_656 : vector<1x16xi32> to vector<16xi32>
        %shift_left3A_658 = arith.constant 16 : i32
        %shift_left3A_659 = vector.broadcast %shift_left3A_658 : i32 to vector<16xi32>
        %shift_left3A_660 = arith.shli %get3A_657, %shift_left3A_659 : vector<16xi32>
        %bitcast_convert_type3A_661 = tpu.bitcast %shift_left3A_660 : vector<16xi32> -> vector<16xf32>
        %bitcast_convert_type3A_662 = tpu.bitcast %get3A_657 : vector<16xi32> -> vector<16xf32>
        %add3A_663 = arith.addf %scan3A_592, %bitcast_convert_type3A_661 : vector<16xf32>
        %add3A_664 = arith.addf %scan3A_593, %bitcast_convert_type3A_662 : vector<16xf32>
        %get3A_665 = arith.index_cast %add3A_601 : i32 to index
        %get3A_666 = arith.constant 96 : index
        %get3A_667 = tpu.vector_load %arg6[%get3A_665, %get3A_666] {strides = array<i32>} : memref<200x128xi32, #tpu.memory_space<vmem>>, vector<1x16xi32>,
        %get3A_668 = vector.shape_cast %get3A_667 : vector<1x16xi32> to vector<16xi32>
        %shift_left3A_669 = arith.constant 16 : i32
        %shift_left3A_670 = vector.broadcast %shift_left3A_669 : i32 to vector<16xi32>
        %shift_left3A_671 = arith.shli %get3A_668, %shift_left3A_670 : vector<16xi32>
        %bitcast_convert_type3A_672 = tpu.bitcast %shift_left3A_671 : vector<16xi32> -> vector<16xf32>
        %bitcast_convert_type3A_673 = tpu.bitcast %get3A_668 : vector<16xi32> -> vector<16xf32>
        %add3A_674 = arith.addf %scan3A_594, %bitcast_convert_type3A_672 : vector<16xf32>
        %add3A_675 = arith.addf %scan3A_595, %bitcast_convert_type3A_673 : vector<16xf32>
        %get3A_676 = arith.index_cast %add3A_601 : i32 to index
        %get3A_677 = arith.constant 112 : index
        %get3A_678 = tpu.vector_load %arg6[%get3A_676, %get3A_677] {strides = array<i32>} : memref<200x128xi32, #tpu.memory_space<vmem>>, vector<1x16xi32>,
        %get3A_679 = vector.shape_cast %get3A_678 : vector<1x16xi32> to vector<16xi32>
        %shift_left3A_680 = arith.constant 16 : i32
        %shift_left3A_681 = vector.broadcast %shift_left3A_680 : i32 to vector<16xi32>
        %shift_left3A_682 = arith.shli %get3A_679, %shift_left3A_681 : vector<16xi32>
        %bitcast_convert_type3A_683 = tpu.bitcast %shift_left3A_682 : vector<16xi32> -> vector<16xf32>
        %bitcast_convert_type3A_684 = tpu.bitcast %get3A_679 : vector<16xi32> -> vector<16xf32>
        %add3A_685 = arith.addf %scan3A_596, %bitcast_convert_type3A_683 : vector<16xf32>
        %add3A_686 = arith.addf %scan3A_597, %bitcast_convert_type3A_684 : vector<16xf32>
        %mul3A_687 = arith.constant 2 : i32
        %mul3A_688 = arith.muli %mul3A_687, %scan3A_581 : i32
        %add3A_689 = arith.constant 1 : i32
        %add3A_690 = arith.addi %mul3A_688, %add3A_689 : i32
        %get3A_691 = arith.index_cast %add3A_690 : i32 to index
        %get3A_692 = arith.constant 0 : index
        %get3A_693 = tpu.vector_load %arg6[%get3A_691, %get3A_692] {strides = array<i32>} : memref<200x128xi32, #tpu.memory_space<vmem>>, vector<1x16xi32>,
        %get3A_694 = vector.shape_cast %get3A_693 : vector<1x16xi32> to vector<16xi32>
        %shift_left3A_695 = arith.constant 16 : i32
        %shift_left3A_696 = vector.broadcast %shift_left3A_695 : i32 to vector<16xi32>
        %shift_left3A_697 = arith.shli %get3A_694, %shift_left3A_696 : vector<16xi32>
        %bitcast_convert_type3A_698 = tpu.bitcast %shift_left3A_697 : vector<16xi32> -> vector<16xf32>
        %bitcast_convert_type3A_699 = tpu.bitcast %get3A_694 : vector<16xi32> -> vector<16xf32>
        %add3A_700 = arith.addf %add3A_608, %bitcast_convert_type3A_698 : vector<16xf32>
        %add3A_701 = arith.addf %add3A_609, %bitcast_convert_type3A_699 : vector<16xf32>
        %get3A_702 = arith.index_cast %add3A_690 : i32 to index
        %get3A_703 = arith.constant 16 : index
        %get3A_704 = tpu.vector_load %arg6[%get3A_702, %get3A_703] {strides = array<i32>} : memref<200x128xi32, #tpu.memory_space<vmem>>, vector<1x16xi32>,
        %get3A_705 = vector.shape_cast %get3A_704 : vector<1x16xi32> to vector<16xi32>
        %shift_left3A_706 = arith.constant 16 : i32
        %shift_left3A_707 = vector.broadcast %shift_left3A_706 : i32 to vector<16xi32>
        %shift_left3A_708 = arith.shli %get3A_705, %shift_left3A_707 : vector<16xi32>
        %bitcast_convert_type3A_709 = tpu.bitcast %shift_left3A_708 : vector<16xi32> -> vector<16xf32>
        %bitcast_convert_type3A_710 = tpu.bitcast %get3A_705 : vector<16xi32> -> vector<16xf32>
        %add3A_711 = arith.addf %add3A_619, %bitcast_convert_type3A_709 : vector<16xf32>
        %add3A_712 = arith.addf %add3A_620, %bitcast_convert_type3A_710 : vector<16xf32>
        %get3A_713 = arith.index_cast %add3A_690 : i32 to index
        %get3A_714 = arith.constant 32 : index
        %get3A_715 = tpu.vector_load %arg6[%get3A_713, %get3A_714] {strides = array<i32>} : memref<200x128xi32, #tpu.memory_space<vmem>>, vector<1x16xi32>,
        %get3A_716 = vector.shape_cast %get3A_715 : vector<1x16xi32> to vector<16xi32>
        %shift_left3A_717 = arith.constant 16 : i32
        %shift_left3A_718 = vector.broadcast %shift_left3A_717 : i32 to vector<16xi32>
        %shift_left3A_719 = arith.shli %get3A_716, %shift_left3A_718 : vector<16xi32>
        %bitcast_convert_type3A_720 = tpu.bitcast %shift_left3A_719 : vector<16xi32> -> vector<16xf32>
        %bitcast_convert_type3A_721 = tpu.bitcast %get3A_716 : vector<16xi32> -> vector<16xf32>
        %add3A_722 = arith.addf %add3A_630, %bitcast_convert_type3A_720 : vector<16xf32>
        %add3A_723 = arith.addf %add3A_631, %bitcast_convert_type3A_721 : vector<16xf32>
        %get3A_724 = arith.index_cast %add3A_690 : i32 to index
        %get3A_725 = arith.constant 48 : index
        %get3A_726 = tpu.vector_load %arg6[%get3A_724, %get3A_725] {strides = array<i32>} : memref<200x128xi32, #tpu.memory_space<vmem>>, vector<1x16xi32>,
        %get3A_727 = vector.shape_cast %get3A_726 : vector<1x16xi32> to vector<16xi32>
        %shift_left3A_728 = arith.constant 16 : i32
        %shift_left3A_729 = vector.broadcast %shift_left3A_728 : i32 to vector<16xi32>
        %shift_left3A_730 = arith.shli %get3A_727, %shift_left3A_729 : vector<16xi32>
        %bitcast_convert_type3A_731 = tpu.bitcast %shift_left3A_730 : vector<16xi32> -> vector<16xf32>
        %bitcast_convert_type3A_732 = tpu.bitcast %get3A_727 : vector<16xi32> -> vector<16xf32>
        %add3A_733 = arith.addf %add3A_641, %bitcast_convert_type3A_731 : vector<16xf32>
        %add3A_734 = arith.addf %add3A_642, %bitcast_convert_type3A_732 : vector<16xf32>
        %get3A_735 = arith.index_cast %add3A_690 : i32 to index
        %get3A_736 = arith.constant 64 : index
        %get3A_737 = tpu.vector_load %arg6[%get3A_735, %get3A_736] {strides = array<i32>} : memref<200x128xi32, #tpu.memory_space<vmem>>, vector<1x16xi32>,
        %get3A_738 = vector.shape_cast %get3A_737 : vector<1x16xi32> to vector<16xi32>
        %shift_left3A_739 = arith.constant 16 : i32
        %shift_left3A_740 = vector.broadcast %shift_left3A_739 : i32 to vector<16xi32>
        %shift_left3A_741 = arith.shli %get3A_738, %shift_left3A_740 : vector<16xi32>
        %bitcast_convert_type3A_742 = tpu.bitcast %shift_left3A_741 : vector<16xi32> -> vector<16xf32>
        %bitcast_convert_type3A_743 = tpu.bitcast %get3A_738 : vector<16xi32> -> vector<16xf32>
        %add3A_744 = arith.addf %add3A_652, %bitcast_convert_type3A_742 : vector<16xf32>
        %add3A_745 = arith.addf %add3A_653, %bitcast_convert_type3A_743 : vector<16xf32>
        %get3A_746 = arith.index_cast %add3A_690 : i32 to index
        %get3A_747 = arith.constant 80 : index
        %get3A_748 = tpu.vector_load %arg6[%get3A_746, %get3A_747] {strides = array<i32>} : memref<200x128xi32, #tpu.memory_space<vmem>>, vector<1x16xi32>,
        %get3A_749 = vector.shape_cast %get3A_748 : vector<1x16xi32> to vector<16xi32>
        %shift_left3A_750 = arith.constant 16 : i32
        %shift_left3A_751 = vector.broadcast %shift_left3A_750 : i32 to vector<16xi32>
        %shift_left3A_752 = arith.shli %get3A_749, %shift_left3A_751 : vector<16xi32>
        %bitcast_convert_type3A_753 = tpu.bitcast %shift_left3A_752 : vector<16xi32> -> vector<16xf32>
        %bitcast_convert_type3A_754 = tpu.bitcast %get3A_749 : vector<16xi32> -> vector<16xf32>
        %add3A_755 = arith.addf %add3A_663, %bitcast_convert_type3A_753 : vector<16xf32>
        %add3A_756 = arith.addf %add3A_664, %bitcast_convert_type3A_754 : vector<16xf32>
        %get3A_757 = arith.index_cast %add3A_690 : i32 to index
        %get3A_758 = arith.constant 96 : index
        %get3A_759 = tpu.vector_load %arg6[%get3A_757, %get3A_758] {strides = array<i32>} : memref<200x128xi32, #tpu.memory_space<vmem>>, vector<1x16xi32>,
        %get3A_760 = vector.shape_cast %get3A_759 : vector<1x16xi32> to vector<16xi32>
        %shift_left3A_761 = arith.constant 16 : i32
        %shift_left3A_762 = vector.broadcast %shift_left3A_761 : i32 to vector<16xi32>
        %shift_left3A_763 = arith.shli %get3A_760, %shift_left3A_762 : vector<16xi32>
        %bitcast_convert_type3A_764 = tpu.bitcast %shift_left3A_763 : vector<16xi32> -> vector<16xf32>
        %bitcast_convert_type3A_765 = tpu.bitcast %get3A_760 : vector<16xi32> -> vector<16xf32>
        %add3A_766 = arith.addf %add3A_674, %bitcast_convert_type3A_764 : vector<16xf32>
        %add3A_767 = arith.addf %add3A_675, %bitcast_convert_type3A_765 : vector<16xf32>
        %get3A_768 = arith.index_cast %add3A_690 : i32 to index
        %get3A_769 = arith.constant 112 : index
        %get3A_770 = tpu.vector_load %arg6[%get3A_768, %get3A_769] {strides = array<i32>} : memref<200x128xi32, #tpu.memory_space<vmem>>, vector<1x16xi32>,
        %get3A_771 = vector.shape_cast %get3A_770 : vector<1x16xi32> to vector<16xi32>
        %shift_left3A_772 = arith.constant 16 : i32
        %shift_left3A_773 = vector.broadcast %shift_left3A_772 : i32 to vector<16xi32>
        %shift_left3A_774 = arith.shli %get3A_771, %shift_left3A_773 : vector<16xi32>
        %bitcast_convert_type3A_775 = tpu.bitcast %shift_left3A_774 : vector<16xi32> -> vector<16xf32>
        %bitcast_convert_type3A_776 = tpu.bitcast %get3A_771 : vector<16xi32> -> vector<16xf32>
        %add3A_777 = arith.addf %add3A_685, %bitcast_convert_type3A_775 : vector<16xf32>
        %add3A_778 = arith.addf %add3A_686, %bitcast_convert_type3A_776 : vector<16xf32>
        scf.yield %add3A_700, %add3A_701, %add3A_711, %add3A_712, %add3A_722, %add3A_723, %add3A_733, %add3A_734, %add3A_744, %add3A_745, %add3A_755, %add3A_756, %add3A_766, %add3A_767, %add3A_777, %add3A_778 : vector<16xf32>, vector<16xf32>, vector<16xf32>, vector<16xf32>, vector<16xf32>, vector<16xf32>, vector<16xf32>, vector<16xf32>, vector<16xf32>, vector<16xf32>, vector<16xf32>, vector<16xf32>, vector<16xf32>, vector<16xf32>, vector<16xf32>, vector<16xf32>
      }
      %scan3A_245 = arith.constant 100 : i32
      %swap3A_246 = arith.constant 0 : index
      %swap3A_247 = tpu.vector_load %arg9[%swap3A_246] {strides = array<i32>} : memref<256xf32, #tpu.memory_space<vmem>>, vector<16xf32>,
      %swap3A_248 = vector.shape_cast %swap3A_247 : vector<16xf32> to vector<16xf32>
      %swap3A_249 = vector.shape_cast %scan3A_244#0 : vector<16xf32> to vector<16xf32>
      tpu.vector_store %arg9[%swap3A_246], %swap3A_249 {strides = array<i32>} : memref<256xf32, #tpu.memory_space<vmem>>, vector<16xf32>,
      %swap3A_250 = arith.constant 128 : index
      %swap3A_251 = tpu.vector_load %arg9[%swap3A_250] {strides = array<i32>} : memref<256xf32, #tpu.memory_space<vmem>>, vector<16xf32>,
      %swap3A_252 = vector.shape_cast %swap3A_251 : vector<16xf32> to vector<16xf32>
      %swap3A_253 = vector.shape_cast %scan3A_244#1 : vector<16xf32> to vector<16xf32>
      tpu.vector_store %arg9[%swap3A_250], %swap3A_253 {strides = array<i32>} : memref<256xf32, #tpu.memory_space<vmem>>, vector<16xf32>,
      %swap3A_254 = arith.constant 16 : index
      %swap3A_255 = tpu.vector_load %arg9[%swap3A_254] {strides = array<i32>} : memref<256xf32, #tpu.memory_space<vmem>>, vector<16xf32>,
      %swap3A_256 = vector.shape_cast %swap3A_255 : vector<16xf32> to vector<16xf32>
      %swap3A_257 = vector.shape_cast %scan3A_244#2 : vector<16xf32> to vector<16xf32>
      tpu.vector_store %arg9[%swap3A_254], %swap3A_257 {strides = array<i32>} : memref<256xf32, #tpu.memory_space<vmem>>, vector<16xf32>,
      %swap3A_258 = arith.constant 144 : index
      %swap3A_259 = tpu.vector_load %arg9[%swap3A_258] {strides = array<i32>} : memref<256xf32, #tpu.memory_space<vmem>>, vector<16xf32>,
      %swap3A_260 = vector.shape_cast %swap3A_259 : vector<16xf32> to vector<16xf32>
      %swap3A_261 = vector.shape_cast %scan3A_244#3 : vector<16xf32> to vector<16xf32>
      tpu.vector_store %arg9[%swap3A_258], %swap3A_261 {strides = array<i32>} : memref<256xf32, #tpu.memory_space<vmem>>, vector<16xf32>,
      %swap3A_262 = arith.constant 32 : index
      %swap3A_263 = tpu.vector_load %arg9[%swap3A_262] {strides = array<i32>} : memref<256xf32, #tpu.memory_space<vmem>>, vector<16xf32>,
      %swap3A_264 = vector.shape_cast %swap3A_263 : vector<16xf32> to vector<16xf32>
      %swap3A_265 = vector.shape_cast %scan3A_244#4 : vector<16xf32> to vector<16xf32>
      tpu.vector_store %arg9[%swap3A_262], %swap3A_265 {strides = array<i32>} : memref<256xf32, #tpu.memory_space<vmem>>, vector<16xf32>,
      %swap3A_266 = arith.constant 160 : index
      %swap3A_267 = tpu.vector_load %arg9[%swap3A_266] {strides = array<i32>} : memref<256xf32, #tpu.memory_space<vmem>>, vector<16xf32>,
      %swap3A_268 = vector.shape_cast %swap3A_267 : vector<16xf32> to vector<16xf32>
      %swap3A_269 = vector.shape_cast %scan3A_244#5 : vector<16xf32> to vector<16xf32>
      tpu.vector_store %arg9[%swap3A_266], %swap3A_269 {strides = array<i32>} : memref<256xf32, #tpu.memory_space<vmem>>, vector<16xf32>,
      %swap3A_270 = arith.constant 48 : index
      %swap3A_271 = tpu.vector_load %arg9[%swap3A_270] {strides = array<i32>} : memref<256xf32, #tpu.memory_space<vmem>>, vector<16xf32>,
      %swap3A_272 = vector.shape_cast %swap3A_271 : vector<16xf32> to vector<16xf32>
      %swap3A_273 = vector.shape_cast %scan3A_244#6 : vector<16xf32> to vector<16xf32>
      tpu.vector_store %arg9[%swap3A_270], %swap3A_273 {strides = array<i32>} : memref<256xf32, #tpu.memory_space<vmem>>, vector<16xf32>,
      %swap3A_274 = arith.constant 176 : index
      %swap3A_275 = tpu.vector_load %arg9[%swap3A_274] {strides = array<i32>} : memref<256xf32, #tpu.memory_space<vmem>>, vector<16xf32>,
      %swap3A_276 = vector.shape_cast %swap3A_275 : vector<16xf32> to vector<16xf32>
      %swap3A_277 = vector.shape_cast %scan3A_244#7 : vector<16xf32> to vector<16xf32>
      tpu.vector_store %arg9[%swap3A_274], %swap3A_277 {strides = array<i32>} : memref<256xf32, #tpu.memory_space<vmem>>, vector<16xf32>,
      %swap3A_278 = arith.constant 64 : index
      %swap3A_279 = tpu.vector_load %arg9[%swap3A_278] {strides = array<i32>} : memref<256xf32, #tpu.memory_space<vmem>>, vector<16xf32>,
      %swap3A_280 = vector.shape_cast %swap3A_279 : vector<16xf32> to vector<16xf32>
      %swap3A_281 = vector.shape_cast %scan3A_244#8 : vector<16xf32> to vector<16xf32>
      tpu.vector_store %arg9[%swap3A_278], %swap3A_281 {strides = array<i32>} : memref<256xf32, #tpu.memory_space<vmem>>, vector<16xf32>,
      %swap3A_282 = arith.constant 192 : index
      %swap3A_283 = tpu.vector_load %arg9[%swap3A_282] {strides = array<i32>} : memref<256xf32, #tpu.memory_space<vmem>>, vector<16xf32>,
      %swap3A_284 = vector.shape_cast %swap3A_283 : vector<16xf32> to vector<16xf32>
      %swap3A_285 = vector.shape_cast %scan3A_244#9 : vector<16xf32> to vector<16xf32>
      tpu.vector_store %arg9[%swap3A_282], %swap3A_285 {strides = array<i32>} : memref<256xf32, #tpu.memory_space<vmem>>, vector<16xf32>,
      %swap3A_286 = arith.constant 80 : index
      %swap3A_287 = tpu.vector_load %arg9[%swap3A_286] {strides = array<i32>} : memref<256xf32, #tpu.memory_space<vmem>>, vector<16xf32>,
      %swap3A_288 = vector.shape_cast %swap3A_287 : vector<16xf32> to vector<16xf32>
      %swap3A_289 = vector.shape_cast %scan3A_244#10 : vector<16xf32> to vector<16xf32>
      tpu.vector_store %arg9[%swap3A_286], %swap3A_289 {strides = array<i32>} : memref<256xf32, #tpu.memory_space<vmem>>, vector<16xf32>,
      %swap3A_290 = arith.constant 208 : index
      %swap3A_291 = tpu.vector_load %arg9[%swap3A_290] {strides = array<i32>} : memref<256xf32, #tpu.memory_space<vmem>>, vector<16xf32>,
      %swap3A_292 = vector.shape_cast %swap3A_291 : vector<16xf32> to vector<16xf32>
      %swap3A_293 = vector.shape_cast %scan3A_244#11 : vector<16xf32> to vector<16xf32>
      tpu.vector_store %arg9[%swap3A_290], %swap3A_293 {strides = array<i32>} : memref<256xf32, #tpu.memory_space<vmem>>, vector<16xf32>,
      %swap3A_294 = arith.constant 96 : index
      %swap3A_295 = tpu.vector_load %arg9[%swap3A_294] {strides = array<i32>} : memref<256xf32, #tpu.memory_space<vmem>>, vector<16xf32>,
      %swap3A_296 = vector.shape_cast %swap3A_295 : vector<16xf32> to vector<16xf32>
      %swap3A_297 = vector.shape_cast %scan3A_244#12 : vector<16xf32> to vector<16xf32>
      tpu.vector_store %arg9[%swap3A_294], %swap3A_297 {strides = array<i32>} : memref<256xf32, #tpu.memory_space<vmem>>, vector<16xf32>,
      %swap3A_298 = arith.constant 224 : index
      %swap3A_299 = tpu.vector_load %arg9[%swap3A_298] {strides = array<i32>} : memref<256xf32, #tpu.memory_space<vmem>>, vector<16xf32>,
      %swap3A_300 = vector.shape_cast %swap3A_299 : vector<16xf32> to vector<16xf32>
      %swap3A_301 = vector.shape_cast %scan3A_244#13 : vector<16xf32> to vector<16xf32>
      tpu.vector_store %arg9[%swap3A_298], %swap3A_301 {strides = array<i32>} : memref<256xf32, #tpu.memory_space<vmem>>, vector<16xf32>,
      %swap3A_302 = arith.constant 112 : index
      %swap3A_303 = tpu.vector_load %arg9[%swap3A_302] {strides = array<i32>} : memref<256xf32, #tpu.memory_space<vmem>>, vector<16xf32>,
      %swap3A_304 = vector.shape_cast %swap3A_303 : vector<16xf32> to vector<16xf32>
      %swap3A_305 = vector.shape_cast %scan3A_244#14 : vector<16xf32> to vector<16xf32>
      tpu.vector_store %arg9[%swap3A_302], %swap3A_305 {strides = array<i32>} : memref<256xf32, #tpu.memory_space<vmem>>, vector<16xf32>,
      %swap3A_306 = arith.constant 240 : index
      %swap3A_307 = tpu.vector_load %arg9[%swap3A_306] {strides = array<i32>} : memref<256xf32, #tpu.memory_space<vmem>>, vector<16xf32>,
      %swap3A_308 = vector.shape_cast %swap3A_307 : vector<16xf32> to vector<16xf32>
      %swap3A_309 = vector.shape_cast %scan3A_244#15 : vector<16xf32> to vector<16xf32>
      tpu.vector_store %arg9[%swap3A_306], %swap3A_309 {strides = array<i32>} : memref<256xf32, #tpu.memory_space<vmem>>, vector<16xf32>,
      %add3A_310 = arith.addi %mul3A_2, %add3A_188 : i32
      "tpu.region"() ({
        %run_scoped3A = tpu.sem_alloc : memref<!tpu.dma_semaphore, #tpu.memory_space<semaphore_mem>>
        %dma_start3A_581 = arith.constant 0 : i32
        %dma_start3A_582 = tpu.memref_slice %arg4[%add3A_310, %dma_start3A_581] : memref<8192x256xf32, #tpu.memory_space<hbm>> -> memref<1x256xf32, #tpu.memory_space<hbm>>
        %dma_start3A_583 = tpu.memref_squeeze %dma_start3A_582 : memref<1x256xf32, #tpu.memory_space<hbm>> -> memref<256xf32, #tpu.memory_space<hbm>>
        %dma_start3A_584 = arith.constant 0 : i32
        %dma_start3A_585 = tpu.memref_slice %arg4[%add3A_310, %dma_start3A_584] : memref<8192x256xf32, #tpu.memory_space<hbm>> -> memref<1x256xf32, #tpu.memory_space<hbm>>
        %dma_start3A_586 = tpu.memref_squeeze %dma_start3A_585 : memref<1x256xf32, #tpu.memory_space<hbm>> -> memref<256xf32, #tpu.memory_space<hbm>>
        tpu.enqueue_dma source(%arg9 : memref<256xf32, #tpu.memory_space<vmem>>) target(%dma_start3A_586 : memref<256xf32, #tpu.memory_space<hbm>>) target_semaphore(%run_scoped3A : memref<!tpu.dma_semaphore, #tpu.memory_space<semaphore_mem>>)
        %dma_wait3A_587 = arith.constant 0 : i32
        %dma_wait3A_588 = tpu.memref_slice %arg4[%add3A_310, %dma_wait3A_587] : memref<8192x256xf32, #tpu.memory_space<hbm>> -> memref<1x256xf32, #tpu.memory_space<hbm>>
        %dma_wait3A_589 = tpu.memref_squeeze %dma_wait3A_588 : memref<1x256xf32, #tpu.memory_space<hbm>> -> memref<256xf32, #tpu.memory_space<hbm>>
        %dma_wait3A_590 = arith.constant 0 : i32
        %dma_wait3A_591 = tpu.memref_slice %arg4[%add3A_310, %dma_wait3A_590] : memref<8192x256xf32, #tpu.memory_space<hbm>> -> memref<1x256xf32, #tpu.memory_space<hbm>>
        %dma_wait3A_592 = tpu.memref_squeeze %dma_wait3A_591 : memref<1x256xf32, #tpu.memory_space<hbm>> -> memref<256xf32, #tpu.memory_space<hbm>>
        tpu.wait_dma2 semaphore(%run_scoped3A : memref<!tpu.dma_semaphore, #tpu.memory_space<semaphore_mem>>) src(%arg9 : memref<256xf32, #tpu.memory_space<vmem>>) dst(%dma_wait3A_592 : memref<256xf32, #tpu.memory_space<hbm>>)
        tpu.yield
      }) : () -> ()
      %add3A_311 = arith.constant 3 : i32
      %add3A_312 = arith.addi %add3A_188, %add3A_311 : i32
      %lt3A = arith.constant 256 : i32
      %lt3A_313 = arith.cmpi slt, %add3A_312, %lt3A : i32
      %convert_element_type3A = arith.extui %lt3A_313 : i1 to i32
      %cond3A = arith.constant 0 : i32
      %cond3A_314 = arith.cmpi ne, %convert_element_type3A, %cond3A : i32
      scf.if %cond3A_314 {
        %add3A_581 = arith.constant 3 : i32
        %add3A_582 = arith.addi %add3A_188, %add3A_581 : i32
        %mul3A_583 = arith.constant 200 : i32
        %mul3A_584 = arith.muli %add3A_582, %mul3A_583 : i32
        %multiple_of3A_585 = tpu.assume_multiple %mul3A_584, 8 : i32
        %dma_start3A_586 = arith.constant 0 : i32
        %dma_start3A_587 = arith.constant 0 : i32
        %dma_start3A_588 = tpu.memref_slice %arg6[%dma_start3A_586, %dma_start3A_587] : memref<200x128xi32, #tpu.memory_space<vmem>> -> memref<128x128xi32, #tpu.memory_space<vmem>>
        %dma_start3A_589 = tpu.memref_slice %arg5[%multiple_of3A_585] : memref<51200xi32, #tpu.memory_space<vmem>> -> memref<128xi32, #tpu.memory_space<vmem>>
        %dma_start3A_590 = arith.constant 0 : i32
        %dma_start3A_591 = arith.constant 0 : i32
        %dma_start3A_592 = tpu.memref_slice %arg3[%dma_start3A_590, %dma_start3A_591] : memref<100000x128xi32, #tpu.memory_space<hbm>> -> memref<100000x128xi32, #tpu.memory_space<hbm>>
        tpu.enqueue_indirect_dma source(%dma_start3A_592 : memref<100000x128xi32, #tpu.memory_space<hbm>>) target(%dma_start3A_588 : memref<128x128xi32, #tpu.memory_space<vmem>>) offsets(%dma_start3A_589 : memref<128xi32, #tpu.memory_space<vmem>>) semaphore(%arg10 : memref<!tpu.dma_semaphore, #tpu.memory_space<semaphore_mem>>)
        %add3A_593 = arith.constant 128 : i32
        %add3A_594 = arith.addi %multiple_of3A_585, %add3A_593 : i32
        %dma_start3A_595 = arith.constant 128 : i32
        %dma_start3A_596 = arith.constant 0 : i32
        %dma_start3A_597 = tpu.memref_slice %arg6[%dma_start3A_595, %dma_start3A_596] : memref<200x128xi32, #tpu.memory_space<vmem>> -> memref<72x128xi32, #tpu.memory_space<vmem>>
        %dma_start3A_598 = tpu.memref_slice %arg5[%add3A_594] : memref<51200xi32, #tpu.memory_space<vmem>> -> memref<72xi32, #tpu.memory_space<vmem>>
        %dma_start3A_599 = arith.constant 0 : i32
        %dma_start3A_600 = arith.constant 0 : i32
        %dma_start3A_601 = tpu.memref_slice %arg3[%dma_start3A_599, %dma_start3A_600] : memref<100000x128xi32, #tpu.memory_space<hbm>> -> memref<100000x128xi32, #tpu.memory_space<hbm>>
        tpu.enqueue_indirect_dma source(%dma_start3A_601 : memref<100000x128xi32, #tpu.memory_space<hbm>>) target(%dma_start3A_597 : memref<72x128xi32, #tpu.memory_space<vmem>>) offsets(%dma_start3A_598 : memref<72xi32, #tpu.memory_space<vmem>>) semaphore(%arg10 : memref<!tpu.dma_semaphore, #tpu.memory_space<semaphore_mem>>)
      } else {
      }
      %mul3A_315 = arith.constant 3 : i32
      %mul3A_316 = arith.muli %scan3A_184, %mul3A_315 : i32
      %add3A_317 = arith.constant 1 : i32
      %add3A_318 = arith.addi %mul3A_316, %add3A_317 : i32
      %mul3A_319 = arith.constant 200 : i32
      %mul3A_320 = arith.muli %add3A_318, %mul3A_319 : i32
      %multiple_of3A_321 = tpu.assume_multiple %mul3A_320, 8 : i32
      %dma_wait3A_322 = arith.constant 0 : i32
      %dma_wait3A_323 = arith.constant 0 : i32
      %dma_wait3A_324 = tpu.memref_slice %arg7[%dma_wait3A_322, %dma_wait3A_323] : memref<200x128xi32, #tpu.memory_space<vmem>> -> memref<128x128xi32, #tpu.memory_space<vmem>>
      %dma_wait3A_325 = tpu.memref_slice %arg5[%multiple_of3A_321] : memref<51200xi32, #tpu.memory_space<vmem>> -> memref<128xi32, #tpu.memory_space<vmem>>
      %dma_wait3A_326 = arith.constant 0 : i32
      %dma_wait3A_327 = arith.constant 0 : i32
      %dma_wait3A_328 = tpu.memref_slice %arg3[%dma_wait3A_326, %dma_wait3A_327] : memref<100000x128xi32, #tpu.memory_space<hbm>> -> memref<100000x128xi32, #tpu.memory_space<hbm>>
      tpu.wait_indirect_dma semaphore(%arg11 : memref<!tpu.dma_semaphore, #tpu.memory_space<semaphore_mem>>) src(%dma_wait3A_328 : memref<100000x128xi32, #tpu.memory_space<hbm>>) dst(%dma_wait3A_324 : memref<128x128xi32, #tpu.memory_space<vmem>>)
      %add3A_329 = arith.constant 128 : i32
      %add3A_330 = arith.addi %multiple_of3A_321, %add3A_329 : i32
      %dma_wait3A_331 = arith.constant 128 : i32
      %dma_wait3A_332 = arith.constant 0 : i32
      %dma_wait3A_333 = tpu.memref_slice %arg7[%dma_wait3A_331, %dma_wait3A_332] : memref<200x128xi32, #tpu.memory_space<vmem>> -> memref<72x128xi32, #tpu.memory_space<vmem>>
      %dma_wait3A_334 = tpu.memref_slice %arg5[%add3A_330] : memref<51200xi32, #tpu.memory_space<vmem>> -> memref<72xi32, #tpu.memory_space<vmem>>
      %dma_wait3A_335 = arith.constant 0 : i32
      %dma_wait3A_336 = arith.constant 0 : i32
      %dma_wait3A_337 = tpu.memref_slice %arg3[%dma_wait3A_335, %dma_wait3A_336] : memref<100000x128xi32, #tpu.memory_space<hbm>> -> memref<100000x128xi32, #tpu.memory_space<hbm>>
      tpu.wait_indirect_dma semaphore(%arg11 : memref<!tpu.dma_semaphore, #tpu.memory_space<semaphore_mem>>) src(%dma_wait3A_337 : memref<100000x128xi32, #tpu.memory_space<hbm>>) dst(%dma_wait3A_333 : memref<72x128xi32, #tpu.memory_space<vmem>>)
      %broadcast_in_dim3A_338 = arith.constant 0.000000e+00 : f32
      %broadcast_in_dim3A_339 = vector.broadcast %broadcast_in_dim3A_338 : f32 to vector<16xf32>
      %broadcast_in_dim3A_340 = arith.constant 0.000000e+00 : f32
      %broadcast_in_dim3A_341 = vector.broadcast %broadcast_in_dim3A_340 : f32 to vector<16xf32>
      %broadcast_in_dim3A_342 = arith.constant 0.000000e+00 : f32
      %broadcast_in_dim3A_343 = vector.broadcast %broadcast_in_dim3A_342 : f32 to vector<16xf32>
      %broadcast_in_dim3A_344 = arith.constant 0.000000e+00 : f32
      %broadcast_in_dim3A_345 = vector.broadcast %broadcast_in_dim3A_344 : f32 to vector<16xf32>
      %broadcast_in_dim3A_346 = arith.constant 0.000000e+00 : f32
      %broadcast_in_dim3A_347 = vector.broadcast %broadcast_in_dim3A_346 : f32 to vector<16xf32>
      %broadcast_in_dim3A_348 = arith.constant 0.000000e+00 : f32
      %broadcast_in_dim3A_349 = vector.broadcast %broadcast_in_dim3A_348 : f32 to vector<16xf32>
      %broadcast_in_dim3A_350 = arith.constant 0.000000e+00 : f32
      %broadcast_in_dim3A_351 = vector.broadcast %broadcast_in_dim3A_350 : f32 to vector<16xf32>
      %broadcast_in_dim3A_352 = arith.constant 0.000000e+00 : f32
      %broadcast_in_dim3A_353 = vector.broadcast %broadcast_in_dim3A_352 : f32 to vector<16xf32>
      %broadcast_in_dim3A_354 = arith.constant 0.000000e+00 : f32
      %broadcast_in_dim3A_355 = vector.broadcast %broadcast_in_dim3A_354 : f32 to vector<16xf32>
      %broadcast_in_dim3A_356 = arith.constant 0.000000e+00 : f32
      %broadcast_in_dim3A_357 = vector.broadcast %broadcast_in_dim3A_356 : f32 to vector<16xf32>
      %broadcast_in_dim3A_358 = arith.constant 0.000000e+00 : f32
      %broadcast_in_dim3A_359 = vector.broadcast %broadcast_in_dim3A_358 : f32 to vector<16xf32>
      %broadcast_in_dim3A_360 = arith.constant 0.000000e+00 : f32
      %broadcast_in_dim3A_361 = vector.broadcast %broadcast_in_dim3A_360 : f32 to vector<16xf32>
      %broadcast_in_dim3A_362 = arith.constant 0.000000e+00 : f32
      %broadcast_in_dim3A_363 = vector.broadcast %broadcast_in_dim3A_362 : f32 to vector<16xf32>
      %broadcast_in_dim3A_364 = arith.constant 0.000000e+00 : f32
      %broadcast_in_dim3A_365 = vector.broadcast %broadcast_in_dim3A_364 : f32 to vector<16xf32>
      %broadcast_in_dim3A_366 = arith.constant 0.000000e+00 : f32
      %broadcast_in_dim3A_367 = vector.broadcast %broadcast_in_dim3A_366 : f32 to vector<16xf32>
      %broadcast_in_dim3A_368 = arith.constant 0.000000e+00 : f32
      %broadcast_in_dim3A_369 = vector.broadcast %broadcast_in_dim3A_368 : f32 to vector<16xf32>
      %scan3A_370 = arith.constant 0 : i32
      %scan3A_371 = arith.constant 100 : i32
      %scan3A_372 = arith.addi %scan3A_370, %scan3A_371 : i32
      %scan3A_373 = arith.constant 1 : i32
      %scan3A_374:16 = scf.for %scan3A_581 = %scan3A_370 to %scan3A_372 step %scan3A_373 iter_args(%scan3A_582 = %broadcast_in_dim3A_339, %scan3A_583 = %broadcast_in_dim3A_341, %scan3A_584 = %broadcast_in_dim3A_343, %scan3A_585 = %broadcast_in_dim3A_345, %scan3A_586 = %broadcast_in_dim3A_347, %scan3A_587 = %broadcast_in_dim3A_349, %scan3A_588 = %broadcast_in_dim3A_351, %scan3A_589 = %broadcast_in_dim3A_353, %scan3A_590 = %broadcast_in_dim3A_355, %scan3A_591 = %broadcast_in_dim3A_357, %scan3A_592 = %broadcast_in_dim3A_359, %scan3A_593 = %broadcast_in_dim3A_361, %scan3A_594 = %broadcast_in_dim3A_363, %scan3A_595 = %broadcast_in_dim3A_365, %scan3A_596 = %broadcast_in_dim3A_367, %scan3A_597 = %broadcast_in_dim3A_369) -> (vector<16xf32>, vector<16xf32>, vector<16xf32>, vector<16xf32>, vector<16xf32>, vector<16xf32>, vector<16xf32>, vector<16xf32>, vector<16xf32>, vector<16xf32>, vector<16xf32>, vector<16xf32>, vector<16xf32>, vector<16xf32>, vector<16xf32>, vector<16xf32>)  : i32 {
        %mul3A_598 = arith.constant 2 : i32
        %mul3A_599 = arith.muli %mul3A_598, %scan3A_581 : i32
        %add3A_600 = arith.constant 0 : i32
        %add3A_601 = arith.addi %mul3A_599, %add3A_600 : i32
        %get3A = arith.index_cast %add3A_601 : i32 to index
        %get3A_602 = arith.constant 0 : index
        %get3A_603 = tpu.vector_load %arg7[%get3A, %get3A_602] {strides = array<i32>} : memref<200x128xi32, #tpu.memory_space<vmem>>, vector<1x16xi32>,
        %get3A_604 = vector.shape_cast %get3A_603 : vector<1x16xi32> to vector<16xi32>
        %shift_left3A = arith.constant 16 : i32
        %shift_left3A_605 = vector.broadcast %shift_left3A : i32 to vector<16xi32>
        %shift_left3A_606 = arith.shli %get3A_604, %shift_left3A_605 : vector<16xi32>
        %bitcast_convert_type3A = tpu.bitcast %shift_left3A_606 : vector<16xi32> -> vector<16xf32>
        %bitcast_convert_type3A_607 = tpu.bitcast %get3A_604 : vector<16xi32> -> vector<16xf32>
        %add3A_608 = arith.addf %scan3A_582, %bitcast_convert_type3A : vector<16xf32>
        %add3A_609 = arith.addf %scan3A_583, %bitcast_convert_type3A_607 : vector<16xf32>
        %get3A_610 = arith.index_cast %add3A_601 : i32 to index
        %get3A_611 = arith.constant 16 : index
        %get3A_612 = tpu.vector_load %arg7[%get3A_610, %get3A_611] {strides = array<i32>} : memref<200x128xi32, #tpu.memory_space<vmem>>, vector<1x16xi32>,
        %get3A_613 = vector.shape_cast %get3A_612 : vector<1x16xi32> to vector<16xi32>
        %shift_left3A_614 = arith.constant 16 : i32
        %shift_left3A_615 = vector.broadcast %shift_left3A_614 : i32 to vector<16xi32>
        %shift_left3A_616 = arith.shli %get3A_613, %shift_left3A_615 : vector<16xi32>
        %bitcast_convert_type3A_617 = tpu.bitcast %shift_left3A_616 : vector<16xi32> -> vector<16xf32>
        %bitcast_convert_type3A_618 = tpu.bitcast %get3A_613 : vector<16xi32> -> vector<16xf32>
        %add3A_619 = arith.addf %scan3A_584, %bitcast_convert_type3A_617 : vector<16xf32>
        %add3A_620 = arith.addf %scan3A_585, %bitcast_convert_type3A_618 : vector<16xf32>
        %get3A_621 = arith.index_cast %add3A_601 : i32 to index
        %get3A_622 = arith.constant 32 : index
        %get3A_623 = tpu.vector_load %arg7[%get3A_621, %get3A_622] {strides = array<i32>} : memref<200x128xi32, #tpu.memory_space<vmem>>, vector<1x16xi32>,
        %get3A_624 = vector.shape_cast %get3A_623 : vector<1x16xi32> to vector<16xi32>
        %shift_left3A_625 = arith.constant 16 : i32
        %shift_left3A_626 = vector.broadcast %shift_left3A_625 : i32 to vector<16xi32>
        %shift_left3A_627 = arith.shli %get3A_624, %shift_left3A_626 : vector<16xi32>
        %bitcast_convert_type3A_628 = tpu.bitcast %shift_left3A_627 : vector<16xi32> -> vector<16xf32>
        %bitcast_convert_type3A_629 = tpu.bitcast %get3A_624 : vector<16xi32> -> vector<16xf32>
        %add3A_630 = arith.addf %scan3A_586, %bitcast_convert_type3A_628 : vector<16xf32>
        %add3A_631 = arith.addf %scan3A_587, %bitcast_convert_type3A_629 : vector<16xf32>
        %get3A_632 = arith.index_cast %add3A_601 : i32 to index
        %get3A_633 = arith.constant 48 : index
        %get3A_634 = tpu.vector_load %arg7[%get3A_632, %get3A_633] {strides = array<i32>} : memref<200x128xi32, #tpu.memory_space<vmem>>, vector<1x16xi32>,
        %get3A_635 = vector.shape_cast %get3A_634 : vector<1x16xi32> to vector<16xi32>
        %shift_left3A_636 = arith.constant 16 : i32
        %shift_left3A_637 = vector.broadcast %shift_left3A_636 : i32 to vector<16xi32>
        %shift_left3A_638 = arith.shli %get3A_635, %shift_left3A_637 : vector<16xi32>
        %bitcast_convert_type3A_639 = tpu.bitcast %shift_left3A_638 : vector<16xi32> -> vector<16xf32>
        %bitcast_convert_type3A_640 = tpu.bitcast %get3A_635 : vector<16xi32> -> vector<16xf32>
        %add3A_641 = arith.addf %scan3A_588, %bitcast_convert_type3A_639 : vector<16xf32>
        %add3A_642 = arith.addf %scan3A_589, %bitcast_convert_type3A_640 : vector<16xf32>
        %get3A_643 = arith.index_cast %add3A_601 : i32 to index
        %get3A_644 = arith.constant 64 : index
        %get3A_645 = tpu.vector_load %arg7[%get3A_643, %get3A_644] {strides = array<i32>} : memref<200x128xi32, #tpu.memory_space<vmem>>, vector<1x16xi32>,
        %get3A_646 = vector.shape_cast %get3A_645 : vector<1x16xi32> to vector<16xi32>
        %shift_left3A_647 = arith.constant 16 : i32
        %shift_left3A_648 = vector.broadcast %shift_left3A_647 : i32 to vector<16xi32>
        %shift_left3A_649 = arith.shli %get3A_646, %shift_left3A_648 : vector<16xi32>
        %bitcast_convert_type3A_650 = tpu.bitcast %shift_left3A_649 : vector<16xi32> -> vector<16xf32>
        %bitcast_convert_type3A_651 = tpu.bitcast %get3A_646 : vector<16xi32> -> vector<16xf32>
        %add3A_652 = arith.addf %scan3A_590, %bitcast_convert_type3A_650 : vector<16xf32>
        %add3A_653 = arith.addf %scan3A_591, %bitcast_convert_type3A_651 : vector<16xf32>
        %get3A_654 = arith.index_cast %add3A_601 : i32 to index
        %get3A_655 = arith.constant 80 : index
        %get3A_656 = tpu.vector_load %arg7[%get3A_654, %get3A_655] {strides = array<i32>} : memref<200x128xi32, #tpu.memory_space<vmem>>, vector<1x16xi32>,
        %get3A_657 = vector.shape_cast %get3A_656 : vector<1x16xi32> to vector<16xi32>
        %shift_left3A_658 = arith.constant 16 : i32
        %shift_left3A_659 = vector.broadcast %shift_left3A_658 : i32 to vector<16xi32>
        %shift_left3A_660 = arith.shli %get3A_657, %shift_left3A_659 : vector<16xi32>
        %bitcast_convert_type3A_661 = tpu.bitcast %shift_left3A_660 : vector<16xi32> -> vector<16xf32>
        %bitcast_convert_type3A_662 = tpu.bitcast %get3A_657 : vector<16xi32> -> vector<16xf32>
        %add3A_663 = arith.addf %scan3A_592, %bitcast_convert_type3A_661 : vector<16xf32>
        %add3A_664 = arith.addf %scan3A_593, %bitcast_convert_type3A_662 : vector<16xf32>
        %get3A_665 = arith.index_cast %add3A_601 : i32 to index
        %get3A_666 = arith.constant 96 : index
        %get3A_667 = tpu.vector_load %arg7[%get3A_665, %get3A_666] {strides = array<i32>} : memref<200x128xi32, #tpu.memory_space<vmem>>, vector<1x16xi32>,
        %get3A_668 = vector.shape_cast %get3A_667 : vector<1x16xi32> to vector<16xi32>
        %shift_left3A_669 = arith.constant 16 : i32
        %shift_left3A_670 = vector.broadcast %shift_left3A_669 : i32 to vector<16xi32>
        %shift_left3A_671 = arith.shli %get3A_668, %shift_left3A_670 : vector<16xi32>
        %bitcast_convert_type3A_672 = tpu.bitcast %shift_left3A_671 : vector<16xi32> -> vector<16xf32>
        %bitcast_convert_type3A_673 = tpu.bitcast %get3A_668 : vector<16xi32> -> vector<16xf32>
        %add3A_674 = arith.addf %scan3A_594, %bitcast_convert_type3A_672 : vector<16xf32>
        %add3A_675 = arith.addf %scan3A_595, %bitcast_convert_type3A_673 : vector<16xf32>
        %get3A_676 = arith.index_cast %add3A_601 : i32 to index
        %get3A_677 = arith.constant 112 : index
        %get3A_678 = tpu.vector_load %arg7[%get3A_676, %get3A_677] {strides = array<i32>} : memref<200x128xi32, #tpu.memory_space<vmem>>, vector<1x16xi32>,
        %get3A_679 = vector.shape_cast %get3A_678 : vector<1x16xi32> to vector<16xi32>
        %shift_left3A_680 = arith.constant 16 : i32
        %shift_left3A_681 = vector.broadcast %shift_left3A_680 : i32 to vector<16xi32>
        %shift_left3A_682 = arith.shli %get3A_679, %shift_left3A_681 : vector<16xi32>
        %bitcast_convert_type3A_683 = tpu.bitcast %shift_left3A_682 : vector<16xi32> -> vector<16xf32>
        %bitcast_convert_type3A_684 = tpu.bitcast %get3A_679 : vector<16xi32> -> vector<16xf32>
        %add3A_685 = arith.addf %scan3A_596, %bitcast_convert_type3A_683 : vector<16xf32>
        %add3A_686 = arith.addf %scan3A_597, %bitcast_convert_type3A_684 : vector<16xf32>
        %mul3A_687 = arith.constant 2 : i32
        %mul3A_688 = arith.muli %mul3A_687, %scan3A_581 : i32
        %add3A_689 = arith.constant 1 : i32
        %add3A_690 = arith.addi %mul3A_688, %add3A_689 : i32
        %get3A_691 = arith.index_cast %add3A_690 : i32 to index
        %get3A_692 = arith.constant 0 : index
        %get3A_693 = tpu.vector_load %arg7[%get3A_691, %get3A_692] {strides = array<i32>} : memref<200x128xi32, #tpu.memory_space<vmem>>, vector<1x16xi32>,
        %get3A_694 = vector.shape_cast %get3A_693 : vector<1x16xi32> to vector<16xi32>
        %shift_left3A_695 = arith.constant 16 : i32
        %shift_left3A_696 = vector.broadcast %shift_left3A_695 : i32 to vector<16xi32>
        %shift_left3A_697 = arith.shli %get3A_694, %shift_left3A_696 : vector<16xi32>
        %bitcast_convert_type3A_698 = tpu.bitcast %shift_left3A_697 : vector<16xi32> -> vector<16xf32>
        %bitcast_convert_type3A_699 = tpu.bitcast %get3A_694 : vector<16xi32> -> vector<16xf32>
        %add3A_700 = arith.addf %add3A_608, %bitcast_convert_type3A_698 : vector<16xf32>
        %add3A_701 = arith.addf %add3A_609, %bitcast_convert_type3A_699 : vector<16xf32>
        %get3A_702 = arith.index_cast %add3A_690 : i32 to index
        %get3A_703 = arith.constant 16 : index
        %get3A_704 = tpu.vector_load %arg7[%get3A_702, %get3A_703] {strides = array<i32>} : memref<200x128xi32, #tpu.memory_space<vmem>>, vector<1x16xi32>,
        %get3A_705 = vector.shape_cast %get3A_704 : vector<1x16xi32> to vector<16xi32>
        %shift_left3A_706 = arith.constant 16 : i32
        %shift_left3A_707 = vector.broadcast %shift_left3A_706 : i32 to vector<16xi32>
        %shift_left3A_708 = arith.shli %get3A_705, %shift_left3A_707 : vector<16xi32>
        %bitcast_convert_type3A_709 = tpu.bitcast %shift_left3A_708 : vector<16xi32> -> vector<16xf32>
        %bitcast_convert_type3A_710 = tpu.bitcast %get3A_705 : vector<16xi32> -> vector<16xf32>
        %add3A_711 = arith.addf %add3A_619, %bitcast_convert_type3A_709 : vector<16xf32>
        %add3A_712 = arith.addf %add3A_620, %bitcast_convert_type3A_710 : vector<16xf32>
        %get3A_713 = arith.index_cast %add3A_690 : i32 to index
        %get3A_714 = arith.constant 32 : index
        %get3A_715 = tpu.vector_load %arg7[%get3A_713, %get3A_714] {strides = array<i32>} : memref<200x128xi32, #tpu.memory_space<vmem>>, vector<1x16xi32>,
        %get3A_716 = vector.shape_cast %get3A_715 : vector<1x16xi32> to vector<16xi32>
        %shift_left3A_717 = arith.constant 16 : i32
        %shift_left3A_718 = vector.broadcast %shift_left3A_717 : i32 to vector<16xi32>
        %shift_left3A_719 = arith.shli %get3A_716, %shift_left3A_718 : vector<16xi32>
        %bitcast_convert_type3A_720 = tpu.bitcast %shift_left3A_719 : vector<16xi32> -> vector<16xf32>
        %bitcast_convert_type3A_721 = tpu.bitcast %get3A_716 : vector<16xi32> -> vector<16xf32>
        %add3A_722 = arith.addf %add3A_630, %bitcast_convert_type3A_720 : vector<16xf32>
        %add3A_723 = arith.addf %add3A_631, %bitcast_convert_type3A_721 : vector<16xf32>
        %get3A_724 = arith.index_cast %add3A_690 : i32 to index
        %get3A_725 = arith.constant 48 : index
        %get3A_726 = tpu.vector_load %arg7[%get3A_724, %get3A_725] {strides = array<i32>} : memref<200x128xi32, #tpu.memory_space<vmem>>, vector<1x16xi32>,
        %get3A_727 = vector.shape_cast %get3A_726 : vector<1x16xi32> to vector<16xi32>
        %shift_left3A_728 = arith.constant 16 : i32
        %shift_left3A_729 = vector.broadcast %shift_left3A_728 : i32 to vector<16xi32>
        %shift_left3A_730 = arith.shli %get3A_727, %shift_left3A_729 : vector<16xi32>
        %bitcast_convert_type3A_731 = tpu.bitcast %shift_left3A_730 : vector<16xi32> -> vector<16xf32>
        %bitcast_convert_type3A_732 = tpu.bitcast %get3A_727 : vector<16xi32> -> vector<16xf32>
        %add3A_733 = arith.addf %add3A_641, %bitcast_convert_type3A_731 : vector<16xf32>
        %add3A_734 = arith.addf %add3A_642, %bitcast_convert_type3A_732 : vector<16xf32>
        %get3A_735 = arith.index_cast %add3A_690 : i32 to index
        %get3A_736 = arith.constant 64 : index
        %get3A_737 = tpu.vector_load %arg7[%get3A_735, %get3A_736] {strides = array<i32>} : memref<200x128xi32, #tpu.memory_space<vmem>>, vector<1x16xi32>,
        %get3A_738 = vector.shape_cast %get3A_737 : vector<1x16xi32> to vector<16xi32>
        %shift_left3A_739 = arith.constant 16 : i32
        %shift_left3A_740 = vector.broadcast %shift_left3A_739 : i32 to vector<16xi32>
        %shift_left3A_741 = arith.shli %get3A_738, %shift_left3A_740 : vector<16xi32>
        %bitcast_convert_type3A_742 = tpu.bitcast %shift_left3A_741 : vector<16xi32> -> vector<16xf32>
        %bitcast_convert_type3A_743 = tpu.bitcast %get3A_738 : vector<16xi32> -> vector<16xf32>
        %add3A_744 = arith.addf %add3A_652, %bitcast_convert_type3A_742 : vector<16xf32>
        %add3A_745 = arith.addf %add3A_653, %bitcast_convert_type3A_743 : vector<16xf32>
        %get3A_746 = arith.index_cast %add3A_690 : i32 to index
        %get3A_747 = arith.constant 80 : index
        %get3A_748 = tpu.vector_load %arg7[%get3A_746, %get3A_747] {strides = array<i32>} : memref<200x128xi32, #tpu.memory_space<vmem>>, vector<1x16xi32>,
        %get3A_749 = vector.shape_cast %get3A_748 : vector<1x16xi32> to vector<16xi32>
        %shift_left3A_750 = arith.constant 16 : i32
        %shift_left3A_751 = vector.broadcast %shift_left3A_750 : i32 to vector<16xi32>
        %shift_left3A_752 = arith.shli %get3A_749, %shift_left3A_751 : vector<16xi32>
        %bitcast_convert_type3A_753 = tpu.bitcast %shift_left3A_752 : vector<16xi32> -> vector<16xf32>
        %bitcast_convert_type3A_754 = tpu.bitcast %get3A_749 : vector<16xi32> -> vector<16xf32>
        %add3A_755 = arith.addf %add3A_663, %bitcast_convert_type3A_753 : vector<16xf32>
        %add3A_756 = arith.addf %add3A_664, %bitcast_convert_type3A_754 : vector<16xf32>
        %get3A_757 = arith.index_cast %add3A_690 : i32 to index
        %get3A_758 = arith.constant 96 : index
        %get3A_759 = tpu.vector_load %arg7[%get3A_757, %get3A_758] {strides = array<i32>} : memref<200x128xi32, #tpu.memory_space<vmem>>, vector<1x16xi32>,
        %get3A_760 = vector.shape_cast %get3A_759 : vector<1x16xi32> to vector<16xi32>
        %shift_left3A_761 = arith.constant 16 : i32
        %shift_left3A_762 = vector.broadcast %shift_left3A_761 : i32 to vector<16xi32>
        %shift_left3A_763 = arith.shli %get3A_760, %shift_left3A_762 : vector<16xi32>
        %bitcast_convert_type3A_764 = tpu.bitcast %shift_left3A_763 : vector<16xi32> -> vector<16xf32>
        %bitcast_convert_type3A_765 = tpu.bitcast %get3A_760 : vector<16xi32> -> vector<16xf32>
        %add3A_766 = arith.addf %add3A_674, %bitcast_convert_type3A_764 : vector<16xf32>
        %add3A_767 = arith.addf %add3A_675, %bitcast_convert_type3A_765 : vector<16xf32>
        %get3A_768 = arith.index_cast %add3A_690 : i32 to index
        %get3A_769 = arith.constant 112 : index
        %get3A_770 = tpu.vector_load %arg7[%get3A_768, %get3A_769] {strides = array<i32>} : memref<200x128xi32, #tpu.memory_space<vmem>>, vector<1x16xi32>,
        %get3A_771 = vector.shape_cast %get3A_770 : vector<1x16xi32> to vector<16xi32>
        %shift_left3A_772 = arith.constant 16 : i32
        %shift_left3A_773 = vector.broadcast %shift_left3A_772 : i32 to vector<16xi32>
        %shift_left3A_774 = arith.shli %get3A_771, %shift_left3A_773 : vector<16xi32>
        %bitcast_convert_type3A_775 = tpu.bitcast %shift_left3A_774 : vector<16xi32> -> vector<16xf32>
        %bitcast_convert_type3A_776 = tpu.bitcast %get3A_771 : vector<16xi32> -> vector<16xf32>
        %add3A_777 = arith.addf %add3A_685, %bitcast_convert_type3A_775 : vector<16xf32>
        %add3A_778 = arith.addf %add3A_686, %bitcast_convert_type3A_776 : vector<16xf32>
        scf.yield %add3A_700, %add3A_701, %add3A_711, %add3A_712, %add3A_722, %add3A_723, %add3A_733, %add3A_734, %add3A_744, %add3A_745, %add3A_755, %add3A_756, %add3A_766, %add3A_767, %add3A_777, %add3A_778 : vector<16xf32>, vector<16xf32>, vector<16xf32>, vector<16xf32>, vector<16xf32>, vector<16xf32>, vector<16xf32>, vector<16xf32>, vector<16xf32>, vector<16xf32>, vector<16xf32>, vector<16xf32>, vector<16xf32>, vector<16xf32>, vector<16xf32>, vector<16xf32>
      }
      %scan3A_375 = arith.constant 100 : i32
      %swap3A_376 = arith.constant 0 : index
      %swap3A_377 = tpu.vector_load %arg9[%swap3A_376] {strides = array<i32>} : memref<256xf32, #tpu.memory_space<vmem>>, vector<16xf32>,
      %swap3A_378 = vector.shape_cast %swap3A_377 : vector<16xf32> to vector<16xf32>
      %swap3A_379 = vector.shape_cast %scan3A_374#0 : vector<16xf32> to vector<16xf32>
      tpu.vector_store %arg9[%swap3A_376], %swap3A_379 {strides = array<i32>} : memref<256xf32, #tpu.memory_space<vmem>>, vector<16xf32>,
      %swap3A_380 = arith.constant 128 : index
      %swap3A_381 = tpu.vector_load %arg9[%swap3A_380] {strides = array<i32>} : memref<256xf32, #tpu.memory_space<vmem>>, vector<16xf32>,
      %swap3A_382 = vector.shape_cast %swap3A_381 : vector<16xf32> to vector<16xf32>
      %swap3A_383 = vector.shape_cast %scan3A_374#1 : vector<16xf32> to vector<16xf32>
      tpu.vector_store %arg9[%swap3A_380], %swap3A_383 {strides = array<i32>} : memref<256xf32, #tpu.memory_space<vmem>>, vector<16xf32>,
      %swap3A_384 = arith.constant 16 : index
      %swap3A_385 = tpu.vector_load %arg9[%swap3A_384] {strides = array<i32>} : memref<256xf32, #tpu.memory_space<vmem>>, vector<16xf32>,
      %swap3A_386 = vector.shape_cast %swap3A_385 : vector<16xf32> to vector<16xf32>
      %swap3A_387 = vector.shape_cast %scan3A_374#2 : vector<16xf32> to vector<16xf32>
      tpu.vector_store %arg9[%swap3A_384], %swap3A_387 {strides = array<i32>} : memref<256xf32, #tpu.memory_space<vmem>>, vector<16xf32>,
      %swap3A_388 = arith.constant 144 : index
      %swap3A_389 = tpu.vector_load %arg9[%swap3A_388] {strides = array<i32>} : memref<256xf32, #tpu.memory_space<vmem>>, vector<16xf32>,
      %swap3A_390 = vector.shape_cast %swap3A_389 : vector<16xf32> to vector<16xf32>
      %swap3A_391 = vector.shape_cast %scan3A_374#3 : vector<16xf32> to vector<16xf32>
      tpu.vector_store %arg9[%swap3A_388], %swap3A_391 {strides = array<i32>} : memref<256xf32, #tpu.memory_space<vmem>>, vector<16xf32>,
      %swap3A_392 = arith.constant 32 : index
      %swap3A_393 = tpu.vector_load %arg9[%swap3A_392] {strides = array<i32>} : memref<256xf32, #tpu.memory_space<vmem>>, vector<16xf32>,
      %swap3A_394 = vector.shape_cast %swap3A_393 : vector<16xf32> to vector<16xf32>
      %swap3A_395 = vector.shape_cast %scan3A_374#4 : vector<16xf32> to vector<16xf32>
      tpu.vector_store %arg9[%swap3A_392], %swap3A_395 {strides = array<i32>} : memref<256xf32, #tpu.memory_space<vmem>>, vector<16xf32>,
      %swap3A_396 = arith.constant 160 : index
      %swap3A_397 = tpu.vector_load %arg9[%swap3A_396] {strides = array<i32>} : memref<256xf32, #tpu.memory_space<vmem>>, vector<16xf32>,
      %swap3A_398 = vector.shape_cast %swap3A_397 : vector<16xf32> to vector<16xf32>
      %swap3A_399 = vector.shape_cast %scan3A_374#5 : vector<16xf32> to vector<16xf32>
      tpu.vector_store %arg9[%swap3A_396], %swap3A_399 {strides = array<i32>} : memref<256xf32, #tpu.memory_space<vmem>>, vector<16xf32>,
      %swap3A_400 = arith.constant 48 : index
      %swap3A_401 = tpu.vector_load %arg9[%swap3A_400] {strides = array<i32>} : memref<256xf32, #tpu.memory_space<vmem>>, vector<16xf32>,
      %swap3A_402 = vector.shape_cast %swap3A_401 : vector<16xf32> to vector<16xf32>
      %swap3A_403 = vector.shape_cast %scan3A_374#6 : vector<16xf32> to vector<16xf32>
      tpu.vector_store %arg9[%swap3A_400], %swap3A_403 {strides = array<i32>} : memref<256xf32, #tpu.memory_space<vmem>>, vector<16xf32>,
      %swap3A_404 = arith.constant 176 : index
      %swap3A_405 = tpu.vector_load %arg9[%swap3A_404] {strides = array<i32>} : memref<256xf32, #tpu.memory_space<vmem>>, vector<16xf32>,
      %swap3A_406 = vector.shape_cast %swap3A_405 : vector<16xf32> to vector<16xf32>
      %swap3A_407 = vector.shape_cast %scan3A_374#7 : vector<16xf32> to vector<16xf32>
      tpu.vector_store %arg9[%swap3A_404], %swap3A_407 {strides = array<i32>} : memref<256xf32, #tpu.memory_space<vmem>>, vector<16xf32>,
      %swap3A_408 = arith.constant 64 : index
      %swap3A_409 = tpu.vector_load %arg9[%swap3A_408] {strides = array<i32>} : memref<256xf32, #tpu.memory_space<vmem>>, vector<16xf32>,
      %swap3A_410 = vector.shape_cast %swap3A_409 : vector<16xf32> to vector<16xf32>
      %swap3A_411 = vector.shape_cast %scan3A_374#8 : vector<16xf32> to vector<16xf32>
      tpu.vector_store %arg9[%swap3A_408], %swap3A_411 {strides = array<i32>} : memref<256xf32, #tpu.memory_space<vmem>>, vector<16xf32>,
      %swap3A_412 = arith.constant 192 : index
      %swap3A_413 = tpu.vector_load %arg9[%swap3A_412] {strides = array<i32>} : memref<256xf32, #tpu.memory_space<vmem>>, vector<16xf32>,
      %swap3A_414 = vector.shape_cast %swap3A_413 : vector<16xf32> to vector<16xf32>
      %swap3A_415 = vector.shape_cast %scan3A_374#9 : vector<16xf32> to vector<16xf32>
      tpu.vector_store %arg9[%swap3A_412], %swap3A_415 {strides = array<i32>} : memref<256xf32, #tpu.memory_space<vmem>>, vector<16xf32>,
      %swap3A_416 = arith.constant 80 : index
      %swap3A_417 = tpu.vector_load %arg9[%swap3A_416] {strides = array<i32>} : memref<256xf32, #tpu.memory_space<vmem>>, vector<16xf32>,
      %swap3A_418 = vector.shape_cast %swap3A_417 : vector<16xf32> to vector<16xf32>
      %swap3A_419 = vector.shape_cast %scan3A_374#10 : vector<16xf32> to vector<16xf32>
      tpu.vector_store %arg9[%swap3A_416], %swap3A_419 {strides = array<i32>} : memref<256xf32, #tpu.memory_space<vmem>>, vector<16xf32>,
      %swap3A_420 = arith.constant 208 : index
      %swap3A_421 = tpu.vector_load %arg9[%swap3A_420] {strides = array<i32>} : memref<256xf32, #tpu.memory_space<vmem>>, vector<16xf32>,
      %swap3A_422 = vector.shape_cast %swap3A_421 : vector<16xf32> to vector<16xf32>
      %swap3A_423 = vector.shape_cast %scan3A_374#11 : vector<16xf32> to vector<16xf32>
      tpu.vector_store %arg9[%swap3A_420], %swap3A_423 {strides = array<i32>} : memref<256xf32, #tpu.memory_space<vmem>>, vector<16xf32>,
      %swap3A_424 = arith.constant 96 : index
      %swap3A_425 = tpu.vector_load %arg9[%swap3A_424] {strides = array<i32>} : memref<256xf32, #tpu.memory_space<vmem>>, vector<16xf32>,
      %swap3A_426 = vector.shape_cast %swap3A_425 : vector<16xf32> to vector<16xf32>
      %swap3A_427 = vector.shape_cast %scan3A_374#12 : vector<16xf32> to vector<16xf32>
      tpu.vector_store %arg9[%swap3A_424], %swap3A_427 {strides = array<i32>} : memref<256xf32, #tpu.memory_space<vmem>>, vector<16xf32>,
      %swap3A_428 = arith.constant 224 : index
      %swap3A_429 = tpu.vector_load %arg9[%swap3A_428] {strides = array<i32>} : memref<256xf32, #tpu.memory_space<vmem>>, vector<16xf32>,
      %swap3A_430 = vector.shape_cast %swap3A_429 : vector<16xf32> to vector<16xf32>
      %swap3A_431 = vector.shape_cast %scan3A_374#13 : vector<16xf32> to vector<16xf32>
      tpu.vector_store %arg9[%swap3A_428], %swap3A_431 {strides = array<i32>} : memref<256xf32, #tpu.memory_space<vmem>>, vector<16xf32>,
      %swap3A_432 = arith.constant 112 : index
      %swap3A_433 = tpu.vector_load %arg9[%swap3A_432] {strides = array<i32>} : memref<256xf32, #tpu.memory_space<vmem>>, vector<16xf32>,
      %swap3A_434 = vector.shape_cast %swap3A_433 : vector<16xf32> to vector<16xf32>
      %swap3A_435 = vector.shape_cast %scan3A_374#14 : vector<16xf32> to vector<16xf32>
      tpu.vector_store %arg9[%swap3A_432], %swap3A_435 {strides = array<i32>} : memref<256xf32, #tpu.memory_space<vmem>>, vector<16xf32>,
      %swap3A_436 = arith.constant 240 : index
      %swap3A_437 = tpu.vector_load %arg9[%swap3A_436] {strides = array<i32>} : memref<256xf32, #tpu.memory_space<vmem>>, vector<16xf32>,
      %swap3A_438 = vector.shape_cast %swap3A_437 : vector<16xf32> to vector<16xf32>
      %swap3A_439 = vector.shape_cast %scan3A_374#15 : vector<16xf32> to vector<16xf32>
      tpu.vector_store %arg9[%swap3A_436], %swap3A_439 {strides = array<i32>} : memref<256xf32, #tpu.memory_space<vmem>>, vector<16xf32>,
      %add3A_440 = arith.addi %mul3A_2, %add3A_318 : i32
      "tpu.region"() ({
        %run_scoped3A = tpu.sem_alloc : memref<!tpu.dma_semaphore, #tpu.memory_space<semaphore_mem>>
        %dma_start3A_581 = arith.constant 0 : i32
        %dma_start3A_582 = tpu.memref_slice %arg4[%add3A_440, %dma_start3A_581] : memref<8192x256xf32, #tpu.memory_space<hbm>> -> memref<1x256xf32, #tpu.memory_space<hbm>>
        %dma_start3A_583 = tpu.memref_squeeze %dma_start3A_582 : memref<1x256xf32, #tpu.memory_space<hbm>> -> memref<256xf32, #tpu.memory_space<hbm>>
        %dma_start3A_584 = arith.constant 0 : i32
        %dma_start3A_585 = tpu.memref_slice %arg4[%add3A_440, %dma_start3A_584] : memref<8192x256xf32, #tpu.memory_space<hbm>> -> memref<1x256xf32, #tpu.memory_space<hbm>>
        %dma_start3A_586 = tpu.memref_squeeze %dma_start3A_585 : memref<1x256xf32, #tpu.memory_space<hbm>> -> memref<256xf32, #tpu.memory_space<hbm>>
        tpu.enqueue_dma source(%arg9 : memref<256xf32, #tpu.memory_space<vmem>>) target(%dma_start3A_586 : memref<256xf32, #tpu.memory_space<hbm>>) target_semaphore(%run_scoped3A : memref<!tpu.dma_semaphore, #tpu.memory_space<semaphore_mem>>)
        %dma_wait3A_587 = arith.constant 0 : i32
        %dma_wait3A_588 = tpu.memref_slice %arg4[%add3A_440, %dma_wait3A_587] : memref<8192x256xf32, #tpu.memory_space<hbm>> -> memref<1x256xf32, #tpu.memory_space<hbm>>
        %dma_wait3A_589 = tpu.memref_squeeze %dma_wait3A_588 : memref<1x256xf32, #tpu.memory_space<hbm>> -> memref<256xf32, #tpu.memory_space<hbm>>
        %dma_wait3A_590 = arith.constant 0 : i32
        %dma_wait3A_591 = tpu.memref_slice %arg4[%add3A_440, %dma_wait3A_590] : memref<8192x256xf32, #tpu.memory_space<hbm>> -> memref<1x256xf32, #tpu.memory_space<hbm>>
        %dma_wait3A_592 = tpu.memref_squeeze %dma_wait3A_591 : memref<1x256xf32, #tpu.memory_space<hbm>> -> memref<256xf32, #tpu.memory_space<hbm>>
        tpu.wait_dma2 semaphore(%run_scoped3A : memref<!tpu.dma_semaphore, #tpu.memory_space<semaphore_mem>>) src(%arg9 : memref<256xf32, #tpu.memory_space<vmem>>) dst(%dma_wait3A_592 : memref<256xf32, #tpu.memory_space<hbm>>)
        tpu.yield
      }) : () -> ()
      %add3A_441 = arith.constant 3 : i32
      %add3A_442 = arith.addi %add3A_318, %add3A_441 : i32
      %lt3A_443 = arith.constant 256 : i32
      %lt3A_444 = arith.cmpi slt, %add3A_442, %lt3A_443 : i32
      %convert_element_type3A_445 = arith.extui %lt3A_444 : i1 to i32
      %cond3A_446 = arith.constant 0 : i32
      %cond3A_447 = arith.cmpi ne, %convert_element_type3A_445, %cond3A_446 : i32
      scf.if %cond3A_447 {
        %add3A_581 = arith.constant 3 : i32
        %add3A_582 = arith.addi %add3A_318, %add3A_581 : i32
        %mul3A_583 = arith.constant 200 : i32
        %mul3A_584 = arith.muli %add3A_582, %mul3A_583 : i32
        %multiple_of3A_585 = tpu.assume_multiple %mul3A_584, 8 : i32
        %dma_start3A_586 = arith.constant 0 : i32
        %dma_start3A_587 = arith.constant 0 : i32
        %dma_start3A_588 = tpu.memref_slice %arg7[%dma_start3A_586, %dma_start3A_587] : memref<200x128xi32, #tpu.memory_space<vmem>> -> memref<128x128xi32, #tpu.memory_space<vmem>>
        %dma_start3A_589 = tpu.memref_slice %arg5[%multiple_of3A_585] : memref<51200xi32, #tpu.memory_space<vmem>> -> memref<128xi32, #tpu.memory_space<vmem>>
        %dma_start3A_590 = arith.constant 0 : i32
        %dma_start3A_591 = arith.constant 0 : i32
        %dma_start3A_592 = tpu.memref_slice %arg3[%dma_start3A_590, %dma_start3A_591] : memref<100000x128xi32, #tpu.memory_space<hbm>> -> memref<100000x128xi32, #tpu.memory_space<hbm>>
        tpu.enqueue_indirect_dma source(%dma_start3A_592 : memref<100000x128xi32, #tpu.memory_space<hbm>>) target(%dma_start3A_588 : memref<128x128xi32, #tpu.memory_space<vmem>>) offsets(%dma_start3A_589 : memref<128xi32, #tpu.memory_space<vmem>>) semaphore(%arg11 : memref<!tpu.dma_semaphore, #tpu.memory_space<semaphore_mem>>)
        %add3A_593 = arith.constant 128 : i32
        %add3A_594 = arith.addi %multiple_of3A_585, %add3A_593 : i32
        %dma_start3A_595 = arith.constant 128 : i32
        %dma_start3A_596 = arith.constant 0 : i32
        %dma_start3A_597 = tpu.memref_slice %arg7[%dma_start3A_595, %dma_start3A_596] : memref<200x128xi32, #tpu.memory_space<vmem>> -> memref<72x128xi32, #tpu.memory_space<vmem>>
        %dma_start3A_598 = tpu.memref_slice %arg5[%add3A_594] : memref<51200xi32, #tpu.memory_space<vmem>> -> memref<72xi32, #tpu.memory_space<vmem>>
        %dma_start3A_599 = arith.constant 0 : i32
        %dma_start3A_600 = arith.constant 0 : i32
        %dma_start3A_601 = tpu.memref_slice %arg3[%dma_start3A_599, %dma_start3A_600] : memref<100000x128xi32, #tpu.memory_space<hbm>> -> memref<100000x128xi32, #tpu.memory_space<hbm>>
        tpu.enqueue_indirect_dma source(%dma_start3A_601 : memref<100000x128xi32, #tpu.memory_space<hbm>>) target(%dma_start3A_597 : memref<72x128xi32, #tpu.memory_space<vmem>>) offsets(%dma_start3A_598 : memref<72xi32, #tpu.memory_space<vmem>>) semaphore(%arg11 : memref<!tpu.dma_semaphore, #tpu.memory_space<semaphore_mem>>)
      } else {
      }
      %mul3A_448 = arith.constant 3 : i32
      %mul3A_449 = arith.muli %scan3A_184, %mul3A_448 : i32
      %add3A_450 = arith.constant 2 : i32
      %add3A_451 = arith.addi %mul3A_449, %add3A_450 : i32
      %mul3A_452 = arith.constant 200 : i32
      %mul3A_453 = arith.muli %add3A_451, %mul3A_452 : i32
      %multiple_of3A_454 = tpu.assume_multiple %mul3A_453, 8 : i32
      %dma_wait3A_455 = arith.constant 0 : i32
      %dma_wait3A_456 = arith.constant 0 : i32
      %dma_wait3A_457 = tpu.memref_slice %arg8[%dma_wait3A_455, %dma_wait3A_456] : memref<200x128xi32, #tpu.memory_space<vmem>> -> memref<128x128xi32, #tpu.memory_space<vmem>>
      %dma_wait3A_458 = tpu.memref_slice %arg5[%multiple_of3A_454] : memref<51200xi32, #tpu.memory_space<vmem>> -> memref<128xi32, #tpu.memory_space<vmem>>
      %dma_wait3A_459 = arith.constant 0 : i32
      %dma_wait3A_460 = arith.constant 0 : i32
      %dma_wait3A_461 = tpu.memref_slice %arg3[%dma_wait3A_459, %dma_wait3A_460] : memref<100000x128xi32, #tpu.memory_space<hbm>> -> memref<100000x128xi32, #tpu.memory_space<hbm>>
      tpu.wait_indirect_dma semaphore(%arg12 : memref<!tpu.dma_semaphore, #tpu.memory_space<semaphore_mem>>) src(%dma_wait3A_461 : memref<100000x128xi32, #tpu.memory_space<hbm>>) dst(%dma_wait3A_457 : memref<128x128xi32, #tpu.memory_space<vmem>>)
      %add3A_462 = arith.constant 128 : i32
      %add3A_463 = arith.addi %multiple_of3A_454, %add3A_462 : i32
      %dma_wait3A_464 = arith.constant 128 : i32
      %dma_wait3A_465 = arith.constant 0 : i32
      %dma_wait3A_466 = tpu.memref_slice %arg8[%dma_wait3A_464, %dma_wait3A_465] : memref<200x128xi32, #tpu.memory_space<vmem>> -> memref<72x128xi32, #tpu.memory_space<vmem>>
      %dma_wait3A_467 = tpu.memref_slice %arg5[%add3A_463] : memref<51200xi32, #tpu.memory_space<vmem>> -> memref<72xi32, #tpu.memory_space<vmem>>
      %dma_wait3A_468 = arith.constant 0 : i32
      %dma_wait3A_469 = arith.constant 0 : i32
      %dma_wait3A_470 = tpu.memref_slice %arg3[%dma_wait3A_468, %dma_wait3A_469] : memref<100000x128xi32, #tpu.memory_space<hbm>> -> memref<100000x128xi32, #tpu.memory_space<hbm>>
      tpu.wait_indirect_dma semaphore(%arg12 : memref<!tpu.dma_semaphore, #tpu.memory_space<semaphore_mem>>) src(%dma_wait3A_470 : memref<100000x128xi32, #tpu.memory_space<hbm>>) dst(%dma_wait3A_466 : memref<72x128xi32, #tpu.memory_space<vmem>>)
      %broadcast_in_dim3A_471 = arith.constant 0.000000e+00 : f32
      %broadcast_in_dim3A_472 = vector.broadcast %broadcast_in_dim3A_471 : f32 to vector<16xf32>
      %broadcast_in_dim3A_473 = arith.constant 0.000000e+00 : f32
      %broadcast_in_dim3A_474 = vector.broadcast %broadcast_in_dim3A_473 : f32 to vector<16xf32>
      %broadcast_in_dim3A_475 = arith.constant 0.000000e+00 : f32
      %broadcast_in_dim3A_476 = vector.broadcast %broadcast_in_dim3A_475 : f32 to vector<16xf32>
      %broadcast_in_dim3A_477 = arith.constant 0.000000e+00 : f32
      %broadcast_in_dim3A_478 = vector.broadcast %broadcast_in_dim3A_477 : f32 to vector<16xf32>
      %broadcast_in_dim3A_479 = arith.constant 0.000000e+00 : f32
      %broadcast_in_dim3A_480 = vector.broadcast %broadcast_in_dim3A_479 : f32 to vector<16xf32>
      %broadcast_in_dim3A_481 = arith.constant 0.000000e+00 : f32
      %broadcast_in_dim3A_482 = vector.broadcast %broadcast_in_dim3A_481 : f32 to vector<16xf32>
      %broadcast_in_dim3A_483 = arith.constant 0.000000e+00 : f32
      %broadcast_in_dim3A_484 = vector.broadcast %broadcast_in_dim3A_483 : f32 to vector<16xf32>
      %broadcast_in_dim3A_485 = arith.constant 0.000000e+00 : f32
      %broadcast_in_dim3A_486 = vector.broadcast %broadcast_in_dim3A_485 : f32 to vector<16xf32>
      %broadcast_in_dim3A_487 = arith.constant 0.000000e+00 : f32
      %broadcast_in_dim3A_488 = vector.broadcast %broadcast_in_dim3A_487 : f32 to vector<16xf32>
      %broadcast_in_dim3A_489 = arith.constant 0.000000e+00 : f32
      %broadcast_in_dim3A_490 = vector.broadcast %broadcast_in_dim3A_489 : f32 to vector<16xf32>
      %broadcast_in_dim3A_491 = arith.constant 0.000000e+00 : f32
      %broadcast_in_dim3A_492 = vector.broadcast %broadcast_in_dim3A_491 : f32 to vector<16xf32>
      %broadcast_in_dim3A_493 = arith.constant 0.000000e+00 : f32
      %broadcast_in_dim3A_494 = vector.broadcast %broadcast_in_dim3A_493 : f32 to vector<16xf32>
      %broadcast_in_dim3A_495 = arith.constant 0.000000e+00 : f32
      %broadcast_in_dim3A_496 = vector.broadcast %broadcast_in_dim3A_495 : f32 to vector<16xf32>
      %broadcast_in_dim3A_497 = arith.constant 0.000000e+00 : f32
      %broadcast_in_dim3A_498 = vector.broadcast %broadcast_in_dim3A_497 : f32 to vector<16xf32>
      %broadcast_in_dim3A_499 = arith.constant 0.000000e+00 : f32
      %broadcast_in_dim3A_500 = vector.broadcast %broadcast_in_dim3A_499 : f32 to vector<16xf32>
      %broadcast_in_dim3A_501 = arith.constant 0.000000e+00 : f32
      %broadcast_in_dim3A_502 = vector.broadcast %broadcast_in_dim3A_501 : f32 to vector<16xf32>
      %scan3A_503 = arith.constant 0 : i32
      %scan3A_504 = arith.constant 100 : i32
      %scan3A_505 = arith.addi %scan3A_503, %scan3A_504 : i32
      %scan3A_506 = arith.constant 1 : i32
      %scan3A_507:16 = scf.for %scan3A_581 = %scan3A_503 to %scan3A_505 step %scan3A_506 iter_args(%scan3A_582 = %broadcast_in_dim3A_472, %scan3A_583 = %broadcast_in_dim3A_474, %scan3A_584 = %broadcast_in_dim3A_476, %scan3A_585 = %broadcast_in_dim3A_478, %scan3A_586 = %broadcast_in_dim3A_480, %scan3A_587 = %broadcast_in_dim3A_482, %scan3A_588 = %broadcast_in_dim3A_484, %scan3A_589 = %broadcast_in_dim3A_486, %scan3A_590 = %broadcast_in_dim3A_488, %scan3A_591 = %broadcast_in_dim3A_490, %scan3A_592 = %broadcast_in_dim3A_492, %scan3A_593 = %broadcast_in_dim3A_494, %scan3A_594 = %broadcast_in_dim3A_496, %scan3A_595 = %broadcast_in_dim3A_498, %scan3A_596 = %broadcast_in_dim3A_500, %scan3A_597 = %broadcast_in_dim3A_502) -> (vector<16xf32>, vector<16xf32>, vector<16xf32>, vector<16xf32>, vector<16xf32>, vector<16xf32>, vector<16xf32>, vector<16xf32>, vector<16xf32>, vector<16xf32>, vector<16xf32>, vector<16xf32>, vector<16xf32>, vector<16xf32>, vector<16xf32>, vector<16xf32>)  : i32 {
        %mul3A_598 = arith.constant 2 : i32
        %mul3A_599 = arith.muli %mul3A_598, %scan3A_581 : i32
        %add3A_600 = arith.constant 0 : i32
        %add3A_601 = arith.addi %mul3A_599, %add3A_600 : i32
        %get3A = arith.index_cast %add3A_601 : i32 to index
        %get3A_602 = arith.constant 0 : index
        %get3A_603 = tpu.vector_load %arg8[%get3A, %get3A_602] {strides = array<i32>} : memref<200x128xi32, #tpu.memory_space<vmem>>, vector<1x16xi32>,
        %get3A_604 = vector.shape_cast %get3A_603 : vector<1x16xi32> to vector<16xi32>
        %shift_left3A = arith.constant 16 : i32
        %shift_left3A_605 = vector.broadcast %shift_left3A : i32 to vector<16xi32>
        %shift_left3A_606 = arith.shli %get3A_604, %shift_left3A_605 : vector<16xi32>
        %bitcast_convert_type3A = tpu.bitcast %shift_left3A_606 : vector<16xi32> -> vector<16xf32>
        %bitcast_convert_type3A_607 = tpu.bitcast %get3A_604 : vector<16xi32> -> vector<16xf32>
        %add3A_608 = arith.addf %scan3A_582, %bitcast_convert_type3A : vector<16xf32>
        %add3A_609 = arith.addf %scan3A_583, %bitcast_convert_type3A_607 : vector<16xf32>
        %get3A_610 = arith.index_cast %add3A_601 : i32 to index
        %get3A_611 = arith.constant 16 : index
        %get3A_612 = tpu.vector_load %arg8[%get3A_610, %get3A_611] {strides = array<i32>} : memref<200x128xi32, #tpu.memory_space<vmem>>, vector<1x16xi32>,
        %get3A_613 = vector.shape_cast %get3A_612 : vector<1x16xi32> to vector<16xi32>
        %shift_left3A_614 = arith.constant 16 : i32
        %shift_left3A_615 = vector.broadcast %shift_left3A_614 : i32 to vector<16xi32>
        %shift_left3A_616 = arith.shli %get3A_613, %shift_left3A_615 : vector<16xi32>
        %bitcast_convert_type3A_617 = tpu.bitcast %shift_left3A_616 : vector<16xi32> -> vector<16xf32>
        %bitcast_convert_type3A_618 = tpu.bitcast %get3A_613 : vector<16xi32> -> vector<16xf32>
        %add3A_619 = arith.addf %scan3A_584, %bitcast_convert_type3A_617 : vector<16xf32>
        %add3A_620 = arith.addf %scan3A_585, %bitcast_convert_type3A_618 : vector<16xf32>
        %get3A_621 = arith.index_cast %add3A_601 : i32 to index
        %get3A_622 = arith.constant 32 : index
        %get3A_623 = tpu.vector_load %arg8[%get3A_621, %get3A_622] {strides = array<i32>} : memref<200x128xi32, #tpu.memory_space<vmem>>, vector<1x16xi32>,
        %get3A_624 = vector.shape_cast %get3A_623 : vector<1x16xi32> to vector<16xi32>
        %shift_left3A_625 = arith.constant 16 : i32
        %shift_left3A_626 = vector.broadcast %shift_left3A_625 : i32 to vector<16xi32>
        %shift_left3A_627 = arith.shli %get3A_624, %shift_left3A_626 : vector<16xi32>
        %bitcast_convert_type3A_628 = tpu.bitcast %shift_left3A_627 : vector<16xi32> -> vector<16xf32>
        %bitcast_convert_type3A_629 = tpu.bitcast %get3A_624 : vector<16xi32> -> vector<16xf32>
        %add3A_630 = arith.addf %scan3A_586, %bitcast_convert_type3A_628 : vector<16xf32>
        %add3A_631 = arith.addf %scan3A_587, %bitcast_convert_type3A_629 : vector<16xf32>
        %get3A_632 = arith.index_cast %add3A_601 : i32 to index
        %get3A_633 = arith.constant 48 : index
        %get3A_634 = tpu.vector_load %arg8[%get3A_632, %get3A_633] {strides = array<i32>} : memref<200x128xi32, #tpu.memory_space<vmem>>, vector<1x16xi32>,
        %get3A_635 = vector.shape_cast %get3A_634 : vector<1x16xi32> to vector<16xi32>
        %shift_left3A_636 = arith.constant 16 : i32
        %shift_left3A_637 = vector.broadcast %shift_left3A_636 : i32 to vector<16xi32>
        %shift_left3A_638 = arith.shli %get3A_635, %shift_left3A_637 : vector<16xi32>
        %bitcast_convert_type3A_639 = tpu.bitcast %shift_left3A_638 : vector<16xi32> -> vector<16xf32>
        %bitcast_convert_type3A_640 = tpu.bitcast %get3A_635 : vector<16xi32> -> vector<16xf32>
        %add3A_641 = arith.addf %scan3A_588, %bitcast_convert_type3A_639 : vector<16xf32>
        %add3A_642 = arith.addf %scan3A_589, %bitcast_convert_type3A_640 : vector<16xf32>
        %get3A_643 = arith.index_cast %add3A_601 : i32 to index
        %get3A_644 = arith.constant 64 : index
        %get3A_645 = tpu.vector_load %arg8[%get3A_643, %get3A_644] {strides = array<i32>} : memref<200x128xi32, #tpu.memory_space<vmem>>, vector<1x16xi32>,
        %get3A_646 = vector.shape_cast %get3A_645 : vector<1x16xi32> to vector<16xi32>
        %shift_left3A_647 = arith.constant 16 : i32
        %shift_left3A_648 = vector.broadcast %shift_left3A_647 : i32 to vector<16xi32>
        %shift_left3A_649 = arith.shli %get3A_646, %shift_left3A_648 : vector<16xi32>
        %bitcast_convert_type3A_650 = tpu.bitcast %shift_left3A_649 : vector<16xi32> -> vector<16xf32>
        %bitcast_convert_type3A_651 = tpu.bitcast %get3A_646 : vector<16xi32> -> vector<16xf32>
        %add3A_652 = arith.addf %scan3A_590, %bitcast_convert_type3A_650 : vector<16xf32>
        %add3A_653 = arith.addf %scan3A_591, %bitcast_convert_type3A_651 : vector<16xf32>
        %get3A_654 = arith.index_cast %add3A_601 : i32 to index
        %get3A_655 = arith.constant 80 : index
        %get3A_656 = tpu.vector_load %arg8[%get3A_654, %get3A_655] {strides = array<i32>} : memref<200x128xi32, #tpu.memory_space<vmem>>, vector<1x16xi32>,
        %get3A_657 = vector.shape_cast %get3A_656 : vector<1x16xi32> to vector<16xi32>
        %shift_left3A_658 = arith.constant 16 : i32
        %shift_left3A_659 = vector.broadcast %shift_left3A_658 : i32 to vector<16xi32>
        %shift_left3A_660 = arith.shli %get3A_657, %shift_left3A_659 : vector<16xi32>
        %bitcast_convert_type3A_661 = tpu.bitcast %shift_left3A_660 : vector<16xi32> -> vector<16xf32>
        %bitcast_convert_type3A_662 = tpu.bitcast %get3A_657 : vector<16xi32> -> vector<16xf32>
        %add3A_663 = arith.addf %scan3A_592, %bitcast_convert_type3A_661 : vector<16xf32>
        %add3A_664 = arith.addf %scan3A_593, %bitcast_convert_type3A_662 : vector<16xf32>
        %get3A_665 = arith.index_cast %add3A_601 : i32 to index
        %get3A_666 = arith.constant 96 : index
        %get3A_667 = tpu.vector_load %arg8[%get3A_665, %get3A_666] {strides = array<i32>} : memref<200x128xi32, #tpu.memory_space<vmem>>, vector<1x16xi32>,
        %get3A_668 = vector.shape_cast %get3A_667 : vector<1x16xi32> to vector<16xi32>
        %shift_left3A_669 = arith.constant 16 : i32
        %shift_left3A_670 = vector.broadcast %shift_left3A_669 : i32 to vector<16xi32>
        %shift_left3A_671 = arith.shli %get3A_668, %shift_left3A_670 : vector<16xi32>
        %bitcast_convert_type3A_672 = tpu.bitcast %shift_left3A_671 : vector<16xi32> -> vector<16xf32>
        %bitcast_convert_type3A_673 = tpu.bitcast %get3A_668 : vector<16xi32> -> vector<16xf32>
        %add3A_674 = arith.addf %scan3A_594, %bitcast_convert_type3A_672 : vector<16xf32>
        %add3A_675 = arith.addf %scan3A_595, %bitcast_convert_type3A_673 : vector<16xf32>
        %get3A_676 = arith.index_cast %add3A_601 : i32 to index
        %get3A_677 = arith.constant 112 : index
        %get3A_678 = tpu.vector_load %arg8[%get3A_676, %get3A_677] {strides = array<i32>} : memref<200x128xi32, #tpu.memory_space<vmem>>, vector<1x16xi32>,
        %get3A_679 = vector.shape_cast %get3A_678 : vector<1x16xi32> to vector<16xi32>
        %shift_left3A_680 = arith.constant 16 : i32
        %shift_left3A_681 = vector.broadcast %shift_left3A_680 : i32 to vector<16xi32>
        %shift_left3A_682 = arith.shli %get3A_679, %shift_left3A_681 : vector<16xi32>
        %bitcast_convert_type3A_683 = tpu.bitcast %shift_left3A_682 : vector<16xi32> -> vector<16xf32>
        %bitcast_convert_type3A_684 = tpu.bitcast %get3A_679 : vector<16xi32> -> vector<16xf32>
        %add3A_685 = arith.addf %scan3A_596, %bitcast_convert_type3A_683 : vector<16xf32>
        %add3A_686 = arith.addf %scan3A_597, %bitcast_convert_type3A_684 : vector<16xf32>
        %mul3A_687 = arith.constant 2 : i32
        %mul3A_688 = arith.muli %mul3A_687, %scan3A_581 : i32
        %add3A_689 = arith.constant 1 : i32
        %add3A_690 = arith.addi %mul3A_688, %add3A_689 : i32
        %get3A_691 = arith.index_cast %add3A_690 : i32 to index
        %get3A_692 = arith.constant 0 : index
        %get3A_693 = tpu.vector_load %arg8[%get3A_691, %get3A_692] {strides = array<i32>} : memref<200x128xi32, #tpu.memory_space<vmem>>, vector<1x16xi32>,
        %get3A_694 = vector.shape_cast %get3A_693 : vector<1x16xi32> to vector<16xi32>
        %shift_left3A_695 = arith.constant 16 : i32
        %shift_left3A_696 = vector.broadcast %shift_left3A_695 : i32 to vector<16xi32>
        %shift_left3A_697 = arith.shli %get3A_694, %shift_left3A_696 : vector<16xi32>
        %bitcast_convert_type3A_698 = tpu.bitcast %shift_left3A_697 : vector<16xi32> -> vector<16xf32>
        %bitcast_convert_type3A_699 = tpu.bitcast %get3A_694 : vector<16xi32> -> vector<16xf32>
        %add3A_700 = arith.addf %add3A_608, %bitcast_convert_type3A_698 : vector<16xf32>
        %add3A_701 = arith.addf %add3A_609, %bitcast_convert_type3A_699 : vector<16xf32>
        %get3A_702 = arith.index_cast %add3A_690 : i32 to index
        %get3A_703 = arith.constant 16 : index
        %get3A_704 = tpu.vector_load %arg8[%get3A_702, %get3A_703] {strides = array<i32>} : memref<200x128xi32, #tpu.memory_space<vmem>>, vector<1x16xi32>,
        %get3A_705 = vector.shape_cast %get3A_704 : vector<1x16xi32> to vector<16xi32>
        %shift_left3A_706 = arith.constant 16 : i32
        %shift_left3A_707 = vector.broadcast %shift_left3A_706 : i32 to vector<16xi32>
        %shift_left3A_708 = arith.shli %get3A_705, %shift_left3A_707 : vector<16xi32>
        %bitcast_convert_type3A_709 = tpu.bitcast %shift_left3A_708 : vector<16xi32> -> vector<16xf32>
        %bitcast_convert_type3A_710 = tpu.bitcast %get3A_705 : vector<16xi32> -> vector<16xf32>
        %add3A_711 = arith.addf %add3A_619, %bitcast_convert_type3A_709 : vector<16xf32>
        %add3A_712 = arith.addf %add3A_620, %bitcast_convert_type3A_710 : vector<16xf32>
        %get3A_713 = arith.index_cast %add3A_690 : i32 to index
        %get3A_714 = arith.constant 32 : index
        %get3A_715 = tpu.vector_load %arg8[%get3A_713, %get3A_714] {strides = array<i32>} : memref<200x128xi32, #tpu.memory_space<vmem>>, vector<1x16xi32>,
        %get3A_716 = vector.shape_cast %get3A_715 : vector<1x16xi32> to vector<16xi32>
        %shift_left3A_717 = arith.constant 16 : i32
        %shift_left3A_718 = vector.broadcast %shift_left3A_717 : i32 to vector<16xi32>
        %shift_left3A_719 = arith.shli %get3A_716, %shift_left3A_718 : vector<16xi32>
        %bitcast_convert_type3A_720 = tpu.bitcast %shift_left3A_719 : vector<16xi32> -> vector<16xf32>
        %bitcast_convert_type3A_721 = tpu.bitcast %get3A_716 : vector<16xi32> -> vector<16xf32>
        %add3A_722 = arith.addf %add3A_630, %bitcast_convert_type3A_720 : vector<16xf32>
        %add3A_723 = arith.addf %add3A_631, %bitcast_convert_type3A_721 : vector<16xf32>
        %get3A_724 = arith.index_cast %add3A_690 : i32 to index
        %get3A_725 = arith.constant 48 : index
        %get3A_726 = tpu.vector_load %arg8[%get3A_724, %get3A_725] {strides = array<i32>} : memref<200x128xi32, #tpu.memory_space<vmem>>, vector<1x16xi32>,
        %get3A_727 = vector.shape_cast %get3A_726 : vector<1x16xi32> to vector<16xi32>
        %shift_left3A_728 = arith.constant 16 : i32
        %shift_left3A_729 = vector.broadcast %shift_left3A_728 : i32 to vector<16xi32>
        %shift_left3A_730 = arith.shli %get3A_727, %shift_left3A_729 : vector<16xi32>
        %bitcast_convert_type3A_731 = tpu.bitcast %shift_left3A_730 : vector<16xi32> -> vector<16xf32>
        %bitcast_convert_type3A_732 = tpu.bitcast %get3A_727 : vector<16xi32> -> vector<16xf32>
        %add3A_733 = arith.addf %add3A_641, %bitcast_convert_type3A_731 : vector<16xf32>
        %add3A_734 = arith.addf %add3A_642, %bitcast_convert_type3A_732 : vector<16xf32>
        %get3A_735 = arith.index_cast %add3A_690 : i32 to index
        %get3A_736 = arith.constant 64 : index
        %get3A_737 = tpu.vector_load %arg8[%get3A_735, %get3A_736] {strides = array<i32>} : memref<200x128xi32, #tpu.memory_space<vmem>>, vector<1x16xi32>,
        %get3A_738 = vector.shape_cast %get3A_737 : vector<1x16xi32> to vector<16xi32>
        %shift_left3A_739 = arith.constant 16 : i32
        %shift_left3A_740 = vector.broadcast %shift_left3A_739 : i32 to vector<16xi32>
        %shift_left3A_741 = arith.shli %get3A_738, %shift_left3A_740 : vector<16xi32>
        %bitcast_convert_type3A_742 = tpu.bitcast %shift_left3A_741 : vector<16xi32> -> vector<16xf32>
        %bitcast_convert_type3A_743 = tpu.bitcast %get3A_738 : vector<16xi32> -> vector<16xf32>
        %add3A_744 = arith.addf %add3A_652, %bitcast_convert_type3A_742 : vector<16xf32>
        %add3A_745 = arith.addf %add3A_653, %bitcast_convert_type3A_743 : vector<16xf32>
        %get3A_746 = arith.index_cast %add3A_690 : i32 to index
        %get3A_747 = arith.constant 80 : index
        %get3A_748 = tpu.vector_load %arg8[%get3A_746, %get3A_747] {strides = array<i32>} : memref<200x128xi32, #tpu.memory_space<vmem>>, vector<1x16xi32>,
        %get3A_749 = vector.shape_cast %get3A_748 : vector<1x16xi32> to vector<16xi32>
        %shift_left3A_750 = arith.constant 16 : i32
        %shift_left3A_751 = vector.broadcast %shift_left3A_750 : i32 to vector<16xi32>
        %shift_left3A_752 = arith.shli %get3A_749, %shift_left3A_751 : vector<16xi32>
        %bitcast_convert_type3A_753 = tpu.bitcast %shift_left3A_752 : vector<16xi32> -> vector<16xf32>
        %bitcast_convert_type3A_754 = tpu.bitcast %get3A_749 : vector<16xi32> -> vector<16xf32>
        %add3A_755 = arith.addf %add3A_663, %bitcast_convert_type3A_753 : vector<16xf32>
        %add3A_756 = arith.addf %add3A_664, %bitcast_convert_type3A_754 : vector<16xf32>
        %get3A_757 = arith.index_cast %add3A_690 : i32 to index
        %get3A_758 = arith.constant 96 : index
        %get3A_759 = tpu.vector_load %arg8[%get3A_757, %get3A_758] {strides = array<i32>} : memref<200x128xi32, #tpu.memory_space<vmem>>, vector<1x16xi32>,
        %get3A_760 = vector.shape_cast %get3A_759 : vector<1x16xi32> to vector<16xi32>
        %shift_left3A_761 = arith.constant 16 : i32
        %shift_left3A_762 = vector.broadcast %shift_left3A_761 : i32 to vector<16xi32>
        %shift_left3A_763 = arith.shli %get3A_760, %shift_left3A_762 : vector<16xi32>
        %bitcast_convert_type3A_764 = tpu.bitcast %shift_left3A_763 : vector<16xi32> -> vector<16xf32>
        %bitcast_convert_type3A_765 = tpu.bitcast %get3A_760 : vector<16xi32> -> vector<16xf32>
        %add3A_766 = arith.addf %add3A_674, %bitcast_convert_type3A_764 : vector<16xf32>
        %add3A_767 = arith.addf %add3A_675, %bitcast_convert_type3A_765 : vector<16xf32>
        %get3A_768 = arith.index_cast %add3A_690 : i32 to index
        %get3A_769 = arith.constant 112 : index
        %get3A_770 = tpu.vector_load %arg8[%get3A_768, %get3A_769] {strides = array<i32>} : memref<200x128xi32, #tpu.memory_space<vmem>>, vector<1x16xi32>,
        %get3A_771 = vector.shape_cast %get3A_770 : vector<1x16xi32> to vector<16xi32>
        %shift_left3A_772 = arith.constant 16 : i32
        %shift_left3A_773 = vector.broadcast %shift_left3A_772 : i32 to vector<16xi32>
        %shift_left3A_774 = arith.shli %get3A_771, %shift_left3A_773 : vector<16xi32>
        %bitcast_convert_type3A_775 = tpu.bitcast %shift_left3A_774 : vector<16xi32> -> vector<16xf32>
        %bitcast_convert_type3A_776 = tpu.bitcast %get3A_771 : vector<16xi32> -> vector<16xf32>
        %add3A_777 = arith.addf %add3A_685, %bitcast_convert_type3A_775 : vector<16xf32>
        %add3A_778 = arith.addf %add3A_686, %bitcast_convert_type3A_776 : vector<16xf32>
        scf.yield %add3A_700, %add3A_701, %add3A_711, %add3A_712, %add3A_722, %add3A_723, %add3A_733, %add3A_734, %add3A_744, %add3A_745, %add3A_755, %add3A_756, %add3A_766, %add3A_767, %add3A_777, %add3A_778 : vector<16xf32>, vector<16xf32>, vector<16xf32>, vector<16xf32>, vector<16xf32>, vector<16xf32>, vector<16xf32>, vector<16xf32>, vector<16xf32>, vector<16xf32>, vector<16xf32>, vector<16xf32>, vector<16xf32>, vector<16xf32>, vector<16xf32>, vector<16xf32>
      }
      %scan3A_508 = arith.constant 100 : i32
      %swap3A_509 = arith.constant 0 : index
      %swap3A_510 = tpu.vector_load %arg9[%swap3A_509] {strides = array<i32>} : memref<256xf32, #tpu.memory_space<vmem>>, vector<16xf32>,
      %swap3A_511 = vector.shape_cast %swap3A_510 : vector<16xf32> to vector<16xf32>
      %swap3A_512 = vector.shape_cast %scan3A_507#0 : vector<16xf32> to vector<16xf32>
      tpu.vector_store %arg9[%swap3A_509], %swap3A_512 {strides = array<i32>} : memref<256xf32, #tpu.memory_space<vmem>>, vector<16xf32>,
      %swap3A_513 = arith.constant 128 : index
      %swap3A_514 = tpu.vector_load %arg9[%swap3A_513] {strides = array<i32>} : memref<256xf32, #tpu.memory_space<vmem>>, vector<16xf32>,
      %swap3A_515 = vector.shape_cast %swap3A_514 : vector<16xf32> to vector<16xf32>
      %swap3A_516 = vector.shape_cast %scan3A_507#1 : vector<16xf32> to vector<16xf32>
      tpu.vector_store %arg9[%swap3A_513], %swap3A_516 {strides = array<i32>} : memref<256xf32, #tpu.memory_space<vmem>>, vector<16xf32>,
      %swap3A_517 = arith.constant 16 : index
      %swap3A_518 = tpu.vector_load %arg9[%swap3A_517] {strides = array<i32>} : memref<256xf32, #tpu.memory_space<vmem>>, vector<16xf32>,
      %swap3A_519 = vector.shape_cast %swap3A_518 : vector<16xf32> to vector<16xf32>
      %swap3A_520 = vector.shape_cast %scan3A_507#2 : vector<16xf32> to vector<16xf32>
      tpu.vector_store %arg9[%swap3A_517], %swap3A_520 {strides = array<i32>} : memref<256xf32, #tpu.memory_space<vmem>>, vector<16xf32>,
      %swap3A_521 = arith.constant 144 : index
      %swap3A_522 = tpu.vector_load %arg9[%swap3A_521] {strides = array<i32>} : memref<256xf32, #tpu.memory_space<vmem>>, vector<16xf32>,
      %swap3A_523 = vector.shape_cast %swap3A_522 : vector<16xf32> to vector<16xf32>
      %swap3A_524 = vector.shape_cast %scan3A_507#3 : vector<16xf32> to vector<16xf32>
      tpu.vector_store %arg9[%swap3A_521], %swap3A_524 {strides = array<i32>} : memref<256xf32, #tpu.memory_space<vmem>>, vector<16xf32>,
      %swap3A_525 = arith.constant 32 : index
      %swap3A_526 = tpu.vector_load %arg9[%swap3A_525] {strides = array<i32>} : memref<256xf32, #tpu.memory_space<vmem>>, vector<16xf32>,
      %swap3A_527 = vector.shape_cast %swap3A_526 : vector<16xf32> to vector<16xf32>
      %swap3A_528 = vector.shape_cast %scan3A_507#4 : vector<16xf32> to vector<16xf32>
      tpu.vector_store %arg9[%swap3A_525], %swap3A_528 {strides = array<i32>} : memref<256xf32, #tpu.memory_space<vmem>>, vector<16xf32>,
      %swap3A_529 = arith.constant 160 : index
      %swap3A_530 = tpu.vector_load %arg9[%swap3A_529] {strides = array<i32>} : memref<256xf32, #tpu.memory_space<vmem>>, vector<16xf32>,
      %swap3A_531 = vector.shape_cast %swap3A_530 : vector<16xf32> to vector<16xf32>
      %swap3A_532 = vector.shape_cast %scan3A_507#5 : vector<16xf32> to vector<16xf32>
      tpu.vector_store %arg9[%swap3A_529], %swap3A_532 {strides = array<i32>} : memref<256xf32, #tpu.memory_space<vmem>>, vector<16xf32>,
      %swap3A_533 = arith.constant 48 : index
      %swap3A_534 = tpu.vector_load %arg9[%swap3A_533] {strides = array<i32>} : memref<256xf32, #tpu.memory_space<vmem>>, vector<16xf32>,
      %swap3A_535 = vector.shape_cast %swap3A_534 : vector<16xf32> to vector<16xf32>
      %swap3A_536 = vector.shape_cast %scan3A_507#6 : vector<16xf32> to vector<16xf32>
      tpu.vector_store %arg9[%swap3A_533], %swap3A_536 {strides = array<i32>} : memref<256xf32, #tpu.memory_space<vmem>>, vector<16xf32>,
      %swap3A_537 = arith.constant 176 : index
      %swap3A_538 = tpu.vector_load %arg9[%swap3A_537] {strides = array<i32>} : memref<256xf32, #tpu.memory_space<vmem>>, vector<16xf32>,
      %swap3A_539 = vector.shape_cast %swap3A_538 : vector<16xf32> to vector<16xf32>
      %swap3A_540 = vector.shape_cast %scan3A_507#7 : vector<16xf32> to vector<16xf32>
      tpu.vector_store %arg9[%swap3A_537], %swap3A_540 {strides = array<i32>} : memref<256xf32, #tpu.memory_space<vmem>>, vector<16xf32>,
      %swap3A_541 = arith.constant 64 : index
      %swap3A_542 = tpu.vector_load %arg9[%swap3A_541] {strides = array<i32>} : memref<256xf32, #tpu.memory_space<vmem>>, vector<16xf32>,
      %swap3A_543 = vector.shape_cast %swap3A_542 : vector<16xf32> to vector<16xf32>
      %swap3A_544 = vector.shape_cast %scan3A_507#8 : vector<16xf32> to vector<16xf32>
      tpu.vector_store %arg9[%swap3A_541], %swap3A_544 {strides = array<i32>} : memref<256xf32, #tpu.memory_space<vmem>>, vector<16xf32>,
      %swap3A_545 = arith.constant 192 : index
      %swap3A_546 = tpu.vector_load %arg9[%swap3A_545] {strides = array<i32>} : memref<256xf32, #tpu.memory_space<vmem>>, vector<16xf32>,
      %swap3A_547 = vector.shape_cast %swap3A_546 : vector<16xf32> to vector<16xf32>
      %swap3A_548 = vector.shape_cast %scan3A_507#9 : vector<16xf32> to vector<16xf32>
      tpu.vector_store %arg9[%swap3A_545], %swap3A_548 {strides = array<i32>} : memref<256xf32, #tpu.memory_space<vmem>>, vector<16xf32>,
      %swap3A_549 = arith.constant 80 : index
      %swap3A_550 = tpu.vector_load %arg9[%swap3A_549] {strides = array<i32>} : memref<256xf32, #tpu.memory_space<vmem>>, vector<16xf32>,
      %swap3A_551 = vector.shape_cast %swap3A_550 : vector<16xf32> to vector<16xf32>
      %swap3A_552 = vector.shape_cast %scan3A_507#10 : vector<16xf32> to vector<16xf32>
      tpu.vector_store %arg9[%swap3A_549], %swap3A_552 {strides = array<i32>} : memref<256xf32, #tpu.memory_space<vmem>>, vector<16xf32>,
      %swap3A_553 = arith.constant 208 : index
      %swap3A_554 = tpu.vector_load %arg9[%swap3A_553] {strides = array<i32>} : memref<256xf32, #tpu.memory_space<vmem>>, vector<16xf32>,
      %swap3A_555 = vector.shape_cast %swap3A_554 : vector<16xf32> to vector<16xf32>
      %swap3A_556 = vector.shape_cast %scan3A_507#11 : vector<16xf32> to vector<16xf32>
      tpu.vector_store %arg9[%swap3A_553], %swap3A_556 {strides = array<i32>} : memref<256xf32, #tpu.memory_space<vmem>>, vector<16xf32>,
      %swap3A_557 = arith.constant 96 : index
      %swap3A_558 = tpu.vector_load %arg9[%swap3A_557] {strides = array<i32>} : memref<256xf32, #tpu.memory_space<vmem>>, vector<16xf32>,
      %swap3A_559 = vector.shape_cast %swap3A_558 : vector<16xf32> to vector<16xf32>
      %swap3A_560 = vector.shape_cast %scan3A_507#12 : vector<16xf32> to vector<16xf32>
      tpu.vector_store %arg9[%swap3A_557], %swap3A_560 {strides = array<i32>} : memref<256xf32, #tpu.memory_space<vmem>>, vector<16xf32>,
      %swap3A_561 = arith.constant 224 : index
      %swap3A_562 = tpu.vector_load %arg9[%swap3A_561] {strides = array<i32>} : memref<256xf32, #tpu.memory_space<vmem>>, vector<16xf32>,
      %swap3A_563 = vector.shape_cast %swap3A_562 : vector<16xf32> to vector<16xf32>
      %swap3A_564 = vector.shape_cast %scan3A_507#13 : vector<16xf32> to vector<16xf32>
      tpu.vector_store %arg9[%swap3A_561], %swap3A_564 {strides = array<i32>} : memref<256xf32, #tpu.memory_space<vmem>>, vector<16xf32>,
      %swap3A_565 = arith.constant 112 : index
      %swap3A_566 = tpu.vector_load %arg9[%swap3A_565] {strides = array<i32>} : memref<256xf32, #tpu.memory_space<vmem>>, vector<16xf32>,
      %swap3A_567 = vector.shape_cast %swap3A_566 : vector<16xf32> to vector<16xf32>
      %swap3A_568 = vector.shape_cast %scan3A_507#14 : vector<16xf32> to vector<16xf32>
      tpu.vector_store %arg9[%swap3A_565], %swap3A_568 {strides = array<i32>} : memref<256xf32, #tpu.memory_space<vmem>>, vector<16xf32>,
      %swap3A_569 = arith.constant 240 : index
      %swap3A_570 = tpu.vector_load %arg9[%swap3A_569] {strides = array<i32>} : memref<256xf32, #tpu.memory_space<vmem>>, vector<16xf32>,
      %swap3A_571 = vector.shape_cast %swap3A_570 : vector<16xf32> to vector<16xf32>
      %swap3A_572 = vector.shape_cast %scan3A_507#15 : vector<16xf32> to vector<16xf32>
      tpu.vector_store %arg9[%swap3A_569], %swap3A_572 {strides = array<i32>} : memref<256xf32, #tpu.memory_space<vmem>>, vector<16xf32>,
      %add3A_573 = arith.addi %mul3A_2, %add3A_451 : i32
      "tpu.region"() ({
        %run_scoped3A = tpu.sem_alloc : memref<!tpu.dma_semaphore, #tpu.memory_space<semaphore_mem>>
        %dma_start3A_581 = arith.constant 0 : i32
        %dma_start3A_582 = tpu.memref_slice %arg4[%add3A_573, %dma_start3A_581] : memref<8192x256xf32, #tpu.memory_space<hbm>> -> memref<1x256xf32, #tpu.memory_space<hbm>>
        %dma_start3A_583 = tpu.memref_squeeze %dma_start3A_582 : memref<1x256xf32, #tpu.memory_space<hbm>> -> memref<256xf32, #tpu.memory_space<hbm>>
        %dma_start3A_584 = arith.constant 0 : i32
        %dma_start3A_585 = tpu.memref_slice %arg4[%add3A_573, %dma_start3A_584] : memref<8192x256xf32, #tpu.memory_space<hbm>> -> memref<1x256xf32, #tpu.memory_space<hbm>>
        %dma_start3A_586 = tpu.memref_squeeze %dma_start3A_585 : memref<1x256xf32, #tpu.memory_space<hbm>> -> memref<256xf32, #tpu.memory_space<hbm>>
        tpu.enqueue_dma source(%arg9 : memref<256xf32, #tpu.memory_space<vmem>>) target(%dma_start3A_586 : memref<256xf32, #tpu.memory_space<hbm>>) target_semaphore(%run_scoped3A : memref<!tpu.dma_semaphore, #tpu.memory_space<semaphore_mem>>)
        %dma_wait3A_587 = arith.constant 0 : i32
        %dma_wait3A_588 = tpu.memref_slice %arg4[%add3A_573, %dma_wait3A_587] : memref<8192x256xf32, #tpu.memory_space<hbm>> -> memref<1x256xf32, #tpu.memory_space<hbm>>
        %dma_wait3A_589 = tpu.memref_squeeze %dma_wait3A_588 : memref<1x256xf32, #tpu.memory_space<hbm>> -> memref<256xf32, #tpu.memory_space<hbm>>
        %dma_wait3A_590 = arith.constant 0 : i32
        %dma_wait3A_591 = tpu.memref_slice %arg4[%add3A_573, %dma_wait3A_590] : memref<8192x256xf32, #tpu.memory_space<hbm>> -> memref<1x256xf32, #tpu.memory_space<hbm>>
        %dma_wait3A_592 = tpu.memref_squeeze %dma_wait3A_591 : memref<1x256xf32, #tpu.memory_space<hbm>> -> memref<256xf32, #tpu.memory_space<hbm>>
        tpu.wait_dma2 semaphore(%run_scoped3A : memref<!tpu.dma_semaphore, #tpu.memory_space<semaphore_mem>>) src(%arg9 : memref<256xf32, #tpu.memory_space<vmem>>) dst(%dma_wait3A_592 : memref<256xf32, #tpu.memory_space<hbm>>)
        tpu.yield
      }) : () -> ()
      %add3A_574 = arith.constant 3 : i32
      %add3A_575 = arith.addi %add3A_451, %add3A_574 : i32
      %lt3A_576 = arith.constant 256 : i32
      %lt3A_577 = arith.cmpi slt, %add3A_575, %lt3A_576 : i32
      %convert_element_type3A_578 = arith.extui %lt3A_577 : i1 to i32
      %cond3A_579 = arith.constant 0 : i32
      %cond3A_580 = arith.cmpi ne, %convert_element_type3A_578, %cond3A_579 : i32
      scf.if %cond3A_580 {
        %add3A_581 = arith.constant 3 : i32
        %add3A_582 = arith.addi %add3A_451, %add3A_581 : i32
        %mul3A_583 = arith.constant 200 : i32
        %mul3A_584 = arith.muli %add3A_582, %mul3A_583 : i32
        %multiple_of3A_585 = tpu.assume_multiple %mul3A_584, 8 : i32
        %dma_start3A_586 = arith.constant 0 : i32
        %dma_start3A_587 = arith.constant 0 : i32
        %dma_start3A_588 = tpu.memref_slice %arg8[%dma_start3A_586, %dma_start3A_587] : memref<200x128xi32, #tpu.memory_space<vmem>> -> memref<128x128xi32, #tpu.memory_space<vmem>>
        %dma_start3A_589 = tpu.memref_slice %arg5[%multiple_of3A_585] : memref<51200xi32, #tpu.memory_space<vmem>> -> memref<128xi32, #tpu.memory_space<vmem>>
        %dma_start3A_590 = arith.constant 0 : i32
        %dma_start3A_591 = arith.constant 0 : i32
        %dma_start3A_592 = tpu.memref_slice %arg3[%dma_start3A_590, %dma_start3A_591] : memref<100000x128xi32, #tpu.memory_space<hbm>> -> memref<100000x128xi32, #tpu.memory_space<hbm>>
        tpu.enqueue_indirect_dma source(%dma_start3A_592 : memref<100000x128xi32, #tpu.memory_space<hbm>>) target(%dma_start3A_588 : memref<128x128xi32, #tpu.memory_space<vmem>>) offsets(%dma_start3A_589 : memref<128xi32, #tpu.memory_space<vmem>>) semaphore(%arg12 : memref<!tpu.dma_semaphore, #tpu.memory_space<semaphore_mem>>)
        %add3A_593 = arith.constant 128 : i32
        %add3A_594 = arith.addi %multiple_of3A_585, %add3A_593 : i32
        %dma_start3A_595 = arith.constant 128 : i32
        %dma_start3A_596 = arith.constant 0 : i32
        %dma_start3A_597 = tpu.memref_slice %arg8[%dma_start3A_595, %dma_start3A_596] : memref<200x128xi32, #tpu.memory_space<vmem>> -> memref<72x128xi32, #tpu.memory_space<vmem>>
        %dma_start3A_598 = tpu.memref_slice %arg5[%add3A_594] : memref<51200xi32, #tpu.memory_space<vmem>> -> memref<72xi32, #tpu.memory_space<vmem>>
        %dma_start3A_599 = arith.constant 0 : i32
        %dma_start3A_600 = arith.constant 0 : i32
        %dma_start3A_601 = tpu.memref_slice %arg3[%dma_start3A_599, %dma_start3A_600] : memref<100000x128xi32, #tpu.memory_space<hbm>> -> memref<100000x128xi32, #tpu.memory_space<hbm>>
        tpu.enqueue_indirect_dma source(%dma_start3A_601 : memref<100000x128xi32, #tpu.memory_space<hbm>>) target(%dma_start3A_597 : memref<72x128xi32, #tpu.memory_space<vmem>>) offsets(%dma_start3A_598 : memref<72xi32, #tpu.memory_space<vmem>>) semaphore(%arg12 : memref<!tpu.dma_semaphore, #tpu.memory_space<semaphore_mem>>)
      } else {
      }
    }
    %scan3A_64 = arith.constant 85 : i32
    %multiple_of3A_65 = arith.constant 51000 : i32
    %multiple_of3A_66 = tpu.assume_multiple %multiple_of3A_65, 8 : i32
    %dma_wait3A = arith.constant 0 : i32
    %dma_wait3A_67 = arith.constant 0 : i32
    %dma_wait3A_68 = tpu.memref_slice %arg6[%dma_wait3A, %dma_wait3A_67] : memref<200x128xi32, #tpu.memory_space<vmem>> -> memref<128x128xi32, #tpu.memory_space<vmem>>
    %dma_wait3A_69 = tpu.memref_slice %arg5[%multiple_of3A_66] : memref<51200xi32, #tpu.memory_space<vmem>> -> memref<128xi32, #tpu.memory_space<vmem>>
    %dma_wait3A_70 = arith.constant 0 : i32
    %dma_wait3A_71 = arith.constant 0 : i32
    %dma_wait3A_72 = tpu.memref_slice %arg3[%dma_wait3A_70, %dma_wait3A_71] : memref<100000x128xi32, #tpu.memory_space<hbm>> -> memref<100000x128xi32, #tpu.memory_space<hbm>>
    tpu.wait_indirect_dma semaphore(%arg10 : memref<!tpu.dma_semaphore, #tpu.memory_space<semaphore_mem>>) src(%dma_wait3A_72 : memref<100000x128xi32, #tpu.memory_space<hbm>>) dst(%dma_wait3A_68 : memref<128x128xi32, #tpu.memory_space<vmem>>)
    %add3A_73 = arith.constant 128 : i32
    %add3A_74 = arith.addi %multiple_of3A_66, %add3A_73 : i32
    %dma_wait3A_75 = arith.constant 128 : i32
    %dma_wait3A_76 = arith.constant 0 : i32
    %dma_wait3A_77 = tpu.memref_slice %arg6[%dma_wait3A_75, %dma_wait3A_76] : memref<200x128xi32, #tpu.memory_space<vmem>> -> memref<72x128xi32, #tpu.memory_space<vmem>>
    %dma_wait3A_78 = tpu.memref_slice %arg5[%add3A_74] : memref<51200xi32, #tpu.memory_space<vmem>> -> memref<72xi32, #tpu.memory_space<vmem>>
    %dma_wait3A_79 = arith.constant 0 : i32
    %dma_wait3A_80 = arith.constant 0 : i32
    %dma_wait3A_81 = tpu.memref_slice %arg3[%dma_wait3A_79, %dma_wait3A_80] : memref<100000x128xi32, #tpu.memory_space<hbm>> -> memref<100000x128xi32, #tpu.memory_space<hbm>>
    tpu.wait_indirect_dma semaphore(%arg10 : memref<!tpu.dma_semaphore, #tpu.memory_space<semaphore_mem>>) src(%dma_wait3A_81 : memref<100000x128xi32, #tpu.memory_space<hbm>>) dst(%dma_wait3A_77 : memref<72x128xi32, #tpu.memory_space<vmem>>)
    %broadcast_in_dim3A = arith.constant 0.000000e+00 : f32
    %broadcast_in_dim3A_82 = vector.broadcast %broadcast_in_dim3A : f32 to vector<16xf32>
    %broadcast_in_dim3A_83 = arith.constant 0.000000e+00 : f32
    %broadcast_in_dim3A_84 = vector.broadcast %broadcast_in_dim3A_83 : f32 to vector<16xf32>
    %broadcast_in_dim3A_85 = arith.constant 0.000000e+00 : f32
    %broadcast_in_dim3A_86 = vector.broadcast %broadcast_in_dim3A_85 : f32 to vector<16xf32>
    %broadcast_in_dim3A_87 = arith.constant 0.000000e+00 : f32
    %broadcast_in_dim3A_88 = vector.broadcast %broadcast_in_dim3A_87 : f32 to vector<16xf32>
    %broadcast_in_dim3A_89 = arith.constant 0.000000e+00 : f32
    %broadcast_in_dim3A_90 = vector.broadcast %broadcast_in_dim3A_89 : f32 to vector<16xf32>
    %broadcast_in_dim3A_91 = arith.constant 0.000000e+00 : f32
    %broadcast_in_dim3A_92 = vector.broadcast %broadcast_in_dim3A_91 : f32 to vector<16xf32>
    %broadcast_in_dim3A_93 = arith.constant 0.000000e+00 : f32
    %broadcast_in_dim3A_94 = vector.broadcast %broadcast_in_dim3A_93 : f32 to vector<16xf32>
    %broadcast_in_dim3A_95 = arith.constant 0.000000e+00 : f32
    %broadcast_in_dim3A_96 = vector.broadcast %broadcast_in_dim3A_95 : f32 to vector<16xf32>
    %broadcast_in_dim3A_97 = arith.constant 0.000000e+00 : f32
    %broadcast_in_dim3A_98 = vector.broadcast %broadcast_in_dim3A_97 : f32 to vector<16xf32>
    %broadcast_in_dim3A_99 = arith.constant 0.000000e+00 : f32
    %broadcast_in_dim3A_100 = vector.broadcast %broadcast_in_dim3A_99 : f32 to vector<16xf32>
    %broadcast_in_dim3A_101 = arith.constant 0.000000e+00 : f32
    %broadcast_in_dim3A_102 = vector.broadcast %broadcast_in_dim3A_101 : f32 to vector<16xf32>
    %broadcast_in_dim3A_103 = arith.constant 0.000000e+00 : f32
    %broadcast_in_dim3A_104 = vector.broadcast %broadcast_in_dim3A_103 : f32 to vector<16xf32>
    %broadcast_in_dim3A_105 = arith.constant 0.000000e+00 : f32
    %broadcast_in_dim3A_106 = vector.broadcast %broadcast_in_dim3A_105 : f32 to vector<16xf32>
    %broadcast_in_dim3A_107 = arith.constant 0.000000e+00 : f32
    %broadcast_in_dim3A_108 = vector.broadcast %broadcast_in_dim3A_107 : f32 to vector<16xf32>
    %broadcast_in_dim3A_109 = arith.constant 0.000000e+00 : f32
    %broadcast_in_dim3A_110 = vector.broadcast %broadcast_in_dim3A_109 : f32 to vector<16xf32>
    %broadcast_in_dim3A_111 = arith.constant 0.000000e+00 : f32
    %broadcast_in_dim3A_112 = vector.broadcast %broadcast_in_dim3A_111 : f32 to vector<16xf32>
    %scan3A_113 = arith.constant 0 : i32
    %scan3A_114 = arith.constant 100 : i32
    %scan3A_115 = arith.addi %scan3A_113, %scan3A_114 : i32
    %scan3A_116 = arith.constant 1 : i32
    %scan3A_117:16 = scf.for %scan3A_184 = %scan3A_113 to %scan3A_115 step %scan3A_116 iter_args(%scan3A_185 = %broadcast_in_dim3A_82, %scan3A_186 = %broadcast_in_dim3A_84, %scan3A_187 = %broadcast_in_dim3A_86, %scan3A_188 = %broadcast_in_dim3A_88, %scan3A_189 = %broadcast_in_dim3A_90, %scan3A_190 = %broadcast_in_dim3A_92, %scan3A_191 = %broadcast_in_dim3A_94, %scan3A_192 = %broadcast_in_dim3A_96, %scan3A_193 = %broadcast_in_dim3A_98, %scan3A_194 = %broadcast_in_dim3A_100, %scan3A_195 = %broadcast_in_dim3A_102, %scan3A_196 = %broadcast_in_dim3A_104, %scan3A_197 = %broadcast_in_dim3A_106, %scan3A_198 = %broadcast_in_dim3A_108, %scan3A_199 = %broadcast_in_dim3A_110, %scan3A_200 = %broadcast_in_dim3A_112) -> (vector<16xf32>, vector<16xf32>, vector<16xf32>, vector<16xf32>, vector<16xf32>, vector<16xf32>, vector<16xf32>, vector<16xf32>, vector<16xf32>, vector<16xf32>, vector<16xf32>, vector<16xf32>, vector<16xf32>, vector<16xf32>, vector<16xf32>, vector<16xf32>)  : i32 {
      %mul3A_201 = arith.constant 2 : i32
      %mul3A_202 = arith.muli %mul3A_201, %scan3A_184 : i32
      %add3A_203 = arith.constant 0 : i32
      %add3A_204 = arith.addi %mul3A_202, %add3A_203 : i32
      %get3A = arith.index_cast %add3A_204 : i32 to index
      %get3A_205 = arith.constant 0 : index
      %get3A_206 = tpu.vector_load %arg6[%get3A, %get3A_205] {strides = array<i32>} : memref<200x128xi32, #tpu.memory_space<vmem>>, vector<1x16xi32>,
      %get3A_207 = vector.shape_cast %get3A_206 : vector<1x16xi32> to vector<16xi32>
      %shift_left3A = arith.constant 16 : i32
      %shift_left3A_208 = vector.broadcast %shift_left3A : i32 to vector<16xi32>
      %shift_left3A_209 = arith.shli %get3A_207, %shift_left3A_208 : vector<16xi32>
      %bitcast_convert_type3A = tpu.bitcast %shift_left3A_209 : vector<16xi32> -> vector<16xf32>
      %bitcast_convert_type3A_210 = tpu.bitcast %get3A_207 : vector<16xi32> -> vector<16xf32>
      %add3A_211 = arith.addf %scan3A_185, %bitcast_convert_type3A : vector<16xf32>
      %add3A_212 = arith.addf %scan3A_186, %bitcast_convert_type3A_210 : vector<16xf32>
      %get3A_213 = arith.index_cast %add3A_204 : i32 to index
      %get3A_214 = arith.constant 16 : index
      %get3A_215 = tpu.vector_load %arg6[%get3A_213, %get3A_214] {strides = array<i32>} : memref<200x128xi32, #tpu.memory_space<vmem>>, vector<1x16xi32>,
      %get3A_216 = vector.shape_cast %get3A_215 : vector<1x16xi32> to vector<16xi32>
      %shift_left3A_217 = arith.constant 16 : i32
      %shift_left3A_218 = vector.broadcast %shift_left3A_217 : i32 to vector<16xi32>
      %shift_left3A_219 = arith.shli %get3A_216, %shift_left3A_218 : vector<16xi32>
      %bitcast_convert_type3A_220 = tpu.bitcast %shift_left3A_219 : vector<16xi32> -> vector<16xf32>
      %bitcast_convert_type3A_221 = tpu.bitcast %get3A_216 : vector<16xi32> -> vector<16xf32>
      %add3A_222 = arith.addf %scan3A_187, %bitcast_convert_type3A_220 : vector<16xf32>
      %add3A_223 = arith.addf %scan3A_188, %bitcast_convert_type3A_221 : vector<16xf32>
      %get3A_224 = arith.index_cast %add3A_204 : i32 to index
      %get3A_225 = arith.constant 32 : index
      %get3A_226 = tpu.vector_load %arg6[%get3A_224, %get3A_225] {strides = array<i32>} : memref<200x128xi32, #tpu.memory_space<vmem>>, vector<1x16xi32>,
      %get3A_227 = vector.shape_cast %get3A_226 : vector<1x16xi32> to vector<16xi32>
      %shift_left3A_228 = arith.constant 16 : i32
      %shift_left3A_229 = vector.broadcast %shift_left3A_228 : i32 to vector<16xi32>
      %shift_left3A_230 = arith.shli %get3A_227, %shift_left3A_229 : vector<16xi32>
      %bitcast_convert_type3A_231 = tpu.bitcast %shift_left3A_230 : vector<16xi32> -> vector<16xf32>
      %bitcast_convert_type3A_232 = tpu.bitcast %get3A_227 : vector<16xi32> -> vector<16xf32>
      %add3A_233 = arith.addf %scan3A_189, %bitcast_convert_type3A_231 : vector<16xf32>
      %add3A_234 = arith.addf %scan3A_190, %bitcast_convert_type3A_232 : vector<16xf32>
      %get3A_235 = arith.index_cast %add3A_204 : i32 to index
      %get3A_236 = arith.constant 48 : index
      %get3A_237 = tpu.vector_load %arg6[%get3A_235, %get3A_236] {strides = array<i32>} : memref<200x128xi32, #tpu.memory_space<vmem>>, vector<1x16xi32>,
      %get3A_238 = vector.shape_cast %get3A_237 : vector<1x16xi32> to vector<16xi32>
      %shift_left3A_239 = arith.constant 16 : i32
      %shift_left3A_240 = vector.broadcast %shift_left3A_239 : i32 to vector<16xi32>
      %shift_left3A_241 = arith.shli %get3A_238, %shift_left3A_240 : vector<16xi32>
      %bitcast_convert_type3A_242 = tpu.bitcast %shift_left3A_241 : vector<16xi32> -> vector<16xf32>
      %bitcast_convert_type3A_243 = tpu.bitcast %get3A_238 : vector<16xi32> -> vector<16xf32>
      %add3A_244 = arith.addf %scan3A_191, %bitcast_convert_type3A_242 : vector<16xf32>
      %add3A_245 = arith.addf %scan3A_192, %bitcast_convert_type3A_243 : vector<16xf32>
      %get3A_246 = arith.index_cast %add3A_204 : i32 to index
      %get3A_247 = arith.constant 64 : index
      %get3A_248 = tpu.vector_load %arg6[%get3A_246, %get3A_247] {strides = array<i32>} : memref<200x128xi32, #tpu.memory_space<vmem>>, vector<1x16xi32>,
      %get3A_249 = vector.shape_cast %get3A_248 : vector<1x16xi32> to vector<16xi32>
      %shift_left3A_250 = arith.constant 16 : i32
      %shift_left3A_251 = vector.broadcast %shift_left3A_250 : i32 to vector<16xi32>
      %shift_left3A_252 = arith.shli %get3A_249, %shift_left3A_251 : vector<16xi32>
      %bitcast_convert_type3A_253 = tpu.bitcast %shift_left3A_252 : vector<16xi32> -> vector<16xf32>
      %bitcast_convert_type3A_254 = tpu.bitcast %get3A_249 : vector<16xi32> -> vector<16xf32>
      %add3A_255 = arith.addf %scan3A_193, %bitcast_convert_type3A_253 : vector<16xf32>
      %add3A_256 = arith.addf %scan3A_194, %bitcast_convert_type3A_254 : vector<16xf32>
      %get3A_257 = arith.index_cast %add3A_204 : i32 to index
      %get3A_258 = arith.constant 80 : index
      %get3A_259 = tpu.vector_load %arg6[%get3A_257, %get3A_258] {strides = array<i32>} : memref<200x128xi32, #tpu.memory_space<vmem>>, vector<1x16xi32>,
      %get3A_260 = vector.shape_cast %get3A_259 : vector<1x16xi32> to vector<16xi32>
      %shift_left3A_261 = arith.constant 16 : i32
      %shift_left3A_262 = vector.broadcast %shift_left3A_261 : i32 to vector<16xi32>
      %shift_left3A_263 = arith.shli %get3A_260, %shift_left3A_262 : vector<16xi32>
      %bitcast_convert_type3A_264 = tpu.bitcast %shift_left3A_263 : vector<16xi32> -> vector<16xf32>
      %bitcast_convert_type3A_265 = tpu.bitcast %get3A_260 : vector<16xi32> -> vector<16xf32>
      %add3A_266 = arith.addf %scan3A_195, %bitcast_convert_type3A_264 : vector<16xf32>
      %add3A_267 = arith.addf %scan3A_196, %bitcast_convert_type3A_265 : vector<16xf32>
      %get3A_268 = arith.index_cast %add3A_204 : i32 to index
      %get3A_269 = arith.constant 96 : index
      %get3A_270 = tpu.vector_load %arg6[%get3A_268, %get3A_269] {strides = array<i32>} : memref<200x128xi32, #tpu.memory_space<vmem>>, vector<1x16xi32>,
      %get3A_271 = vector.shape_cast %get3A_270 : vector<1x16xi32> to vector<16xi32>
      %shift_left3A_272 = arith.constant 16 : i32
      %shift_left3A_273 = vector.broadcast %shift_left3A_272 : i32 to vector<16xi32>
      %shift_left3A_274 = arith.shli %get3A_271, %shift_left3A_273 : vector<16xi32>
      %bitcast_convert_type3A_275 = tpu.bitcast %shift_left3A_274 : vector<16xi32> -> vector<16xf32>
      %bitcast_convert_type3A_276 = tpu.bitcast %get3A_271 : vector<16xi32> -> vector<16xf32>
      %add3A_277 = arith.addf %scan3A_197, %bitcast_convert_type3A_275 : vector<16xf32>
      %add3A_278 = arith.addf %scan3A_198, %bitcast_convert_type3A_276 : vector<16xf32>
      %get3A_279 = arith.index_cast %add3A_204 : i32 to index
      %get3A_280 = arith.constant 112 : index
      %get3A_281 = tpu.vector_load %arg6[%get3A_279, %get3A_280] {strides = array<i32>} : memref<200x128xi32, #tpu.memory_space<vmem>>, vector<1x16xi32>,
      %get3A_282 = vector.shape_cast %get3A_281 : vector<1x16xi32> to vector<16xi32>
      %shift_left3A_283 = arith.constant 16 : i32
      %shift_left3A_284 = vector.broadcast %shift_left3A_283 : i32 to vector<16xi32>
      %shift_left3A_285 = arith.shli %get3A_282, %shift_left3A_284 : vector<16xi32>
      %bitcast_convert_type3A_286 = tpu.bitcast %shift_left3A_285 : vector<16xi32> -> vector<16xf32>
      %bitcast_convert_type3A_287 = tpu.bitcast %get3A_282 : vector<16xi32> -> vector<16xf32>
      %add3A_288 = arith.addf %scan3A_199, %bitcast_convert_type3A_286 : vector<16xf32>
      %add3A_289 = arith.addf %scan3A_200, %bitcast_convert_type3A_287 : vector<16xf32>
      %mul3A_290 = arith.constant 2 : i32
      %mul3A_291 = arith.muli %mul3A_290, %scan3A_184 : i32
      %add3A_292 = arith.constant 1 : i32
      %add3A_293 = arith.addi %mul3A_291, %add3A_292 : i32
      %get3A_294 = arith.index_cast %add3A_293 : i32 to index
      %get3A_295 = arith.constant 0 : index
      %get3A_296 = tpu.vector_load %arg6[%get3A_294, %get3A_295] {strides = array<i32>} : memref<200x128xi32, #tpu.memory_space<vmem>>, vector<1x16xi32>,
      %get3A_297 = vector.shape_cast %get3A_296 : vector<1x16xi32> to vector<16xi32>
      %shift_left3A_298 = arith.constant 16 : i32
      %shift_left3A_299 = vector.broadcast %shift_left3A_298 : i32 to vector<16xi32>
      %shift_left3A_300 = arith.shli %get3A_297, %shift_left3A_299 : vector<16xi32>
      %bitcast_convert_type3A_301 = tpu.bitcast %shift_left3A_300 : vector<16xi32> -> vector<16xf32>
      %bitcast_convert_type3A_302 = tpu.bitcast %get3A_297 : vector<16xi32> -> vector<16xf32>
      %add3A_303 = arith.addf %add3A_211, %bitcast_convert_type3A_301 : vector<16xf32>
      %add3A_304 = arith.addf %add3A_212, %bitcast_convert_type3A_302 : vector<16xf32>
      %get3A_305 = arith.index_cast %add3A_293 : i32 to index
      %get3A_306 = arith.constant 16 : index
      %get3A_307 = tpu.vector_load %arg6[%get3A_305, %get3A_306] {strides = array<i32>} : memref<200x128xi32, #tpu.memory_space<vmem>>, vector<1x16xi32>,
      %get3A_308 = vector.shape_cast %get3A_307 : vector<1x16xi32> to vector<16xi32>
      %shift_left3A_309 = arith.constant 16 : i32
      %shift_left3A_310 = vector.broadcast %shift_left3A_309 : i32 to vector<16xi32>
      %shift_left3A_311 = arith.shli %get3A_308, %shift_left3A_310 : vector<16xi32>
      %bitcast_convert_type3A_312 = tpu.bitcast %shift_left3A_311 : vector<16xi32> -> vector<16xf32>
      %bitcast_convert_type3A_313 = tpu.bitcast %get3A_308 : vector<16xi32> -> vector<16xf32>
      %add3A_314 = arith.addf %add3A_222, %bitcast_convert_type3A_312 : vector<16xf32>
      %add3A_315 = arith.addf %add3A_223, %bitcast_convert_type3A_313 : vector<16xf32>
      %get3A_316 = arith.index_cast %add3A_293 : i32 to index
      %get3A_317 = arith.constant 32 : index
      %get3A_318 = tpu.vector_load %arg6[%get3A_316, %get3A_317] {strides = array<i32>} : memref<200x128xi32, #tpu.memory_space<vmem>>, vector<1x16xi32>,
      %get3A_319 = vector.shape_cast %get3A_318 : vector<1x16xi32> to vector<16xi32>
      %shift_left3A_320 = arith.constant 16 : i32
      %shift_left3A_321 = vector.broadcast %shift_left3A_320 : i32 to vector<16xi32>
      %shift_left3A_322 = arith.shli %get3A_319, %shift_left3A_321 : vector<16xi32>
      %bitcast_convert_type3A_323 = tpu.bitcast %shift_left3A_322 : vector<16xi32> -> vector<16xf32>
      %bitcast_convert_type3A_324 = tpu.bitcast %get3A_319 : vector<16xi32> -> vector<16xf32>
      %add3A_325 = arith.addf %add3A_233, %bitcast_convert_type3A_323 : vector<16xf32>
      %add3A_326 = arith.addf %add3A_234, %bitcast_convert_type3A_324 : vector<16xf32>
      %get3A_327 = arith.index_cast %add3A_293 : i32 to index
      %get3A_328 = arith.constant 48 : index
      %get3A_329 = tpu.vector_load %arg6[%get3A_327, %get3A_328] {strides = array<i32>} : memref<200x128xi32, #tpu.memory_space<vmem>>, vector<1x16xi32>,
      %get3A_330 = vector.shape_cast %get3A_329 : vector<1x16xi32> to vector<16xi32>
      %shift_left3A_331 = arith.constant 16 : i32
      %shift_left3A_332 = vector.broadcast %shift_left3A_331 : i32 to vector<16xi32>
      %shift_left3A_333 = arith.shli %get3A_330, %shift_left3A_332 : vector<16xi32>
      %bitcast_convert_type3A_334 = tpu.bitcast %shift_left3A_333 : vector<16xi32> -> vector<16xf32>
      %bitcast_convert_type3A_335 = tpu.bitcast %get3A_330 : vector<16xi32> -> vector<16xf32>
      %add3A_336 = arith.addf %add3A_244, %bitcast_convert_type3A_334 : vector<16xf32>
      %add3A_337 = arith.addf %add3A_245, %bitcast_convert_type3A_335 : vector<16xf32>
      %get3A_338 = arith.index_cast %add3A_293 : i32 to index
      %get3A_339 = arith.constant 64 : index
      %get3A_340 = tpu.vector_load %arg6[%get3A_338, %get3A_339] {strides = array<i32>} : memref<200x128xi32, #tpu.memory_space<vmem>>, vector<1x16xi32>,
      %get3A_341 = vector.shape_cast %get3A_340 : vector<1x16xi32> to vector<16xi32>
      %shift_left3A_342 = arith.constant 16 : i32
      %shift_left3A_343 = vector.broadcast %shift_left3A_342 : i32 to vector<16xi32>
      %shift_left3A_344 = arith.shli %get3A_341, %shift_left3A_343 : vector<16xi32>
      %bitcast_convert_type3A_345 = tpu.bitcast %shift_left3A_344 : vector<16xi32> -> vector<16xf32>
      %bitcast_convert_type3A_346 = tpu.bitcast %get3A_341 : vector<16xi32> -> vector<16xf32>
      %add3A_347 = arith.addf %add3A_255, %bitcast_convert_type3A_345 : vector<16xf32>
      %add3A_348 = arith.addf %add3A_256, %bitcast_convert_type3A_346 : vector<16xf32>
      %get3A_349 = arith.index_cast %add3A_293 : i32 to index
      %get3A_350 = arith.constant 80 : index
      %get3A_351 = tpu.vector_load %arg6[%get3A_349, %get3A_350] {strides = array<i32>} : memref<200x128xi32, #tpu.memory_space<vmem>>, vector<1x16xi32>,
      %get3A_352 = vector.shape_cast %get3A_351 : vector<1x16xi32> to vector<16xi32>
      %shift_left3A_353 = arith.constant 16 : i32
      %shift_left3A_354 = vector.broadcast %shift_left3A_353 : i32 to vector<16xi32>
      %shift_left3A_355 = arith.shli %get3A_352, %shift_left3A_354 : vector<16xi32>
      %bitcast_convert_type3A_356 = tpu.bitcast %shift_left3A_355 : vector<16xi32> -> vector<16xf32>
      %bitcast_convert_type3A_357 = tpu.bitcast %get3A_352 : vector<16xi32> -> vector<16xf32>
      %add3A_358 = arith.addf %add3A_266, %bitcast_convert_type3A_356 : vector<16xf32>
      %add3A_359 = arith.addf %add3A_267, %bitcast_convert_type3A_357 : vector<16xf32>
      %get3A_360 = arith.index_cast %add3A_293 : i32 to index
      %get3A_361 = arith.constant 96 : index
      %get3A_362 = tpu.vector_load %arg6[%get3A_360, %get3A_361] {strides = array<i32>} : memref<200x128xi32, #tpu.memory_space<vmem>>, vector<1x16xi32>,
      %get3A_363 = vector.shape_cast %get3A_362 : vector<1x16xi32> to vector<16xi32>
      %shift_left3A_364 = arith.constant 16 : i32
      %shift_left3A_365 = vector.broadcast %shift_left3A_364 : i32 to vector<16xi32>
      %shift_left3A_366 = arith.shli %get3A_363, %shift_left3A_365 : vector<16xi32>
      %bitcast_convert_type3A_367 = tpu.bitcast %shift_left3A_366 : vector<16xi32> -> vector<16xf32>
      %bitcast_convert_type3A_368 = tpu.bitcast %get3A_363 : vector<16xi32> -> vector<16xf32>
      %add3A_369 = arith.addf %add3A_277, %bitcast_convert_type3A_367 : vector<16xf32>
      %add3A_370 = arith.addf %add3A_278, %bitcast_convert_type3A_368 : vector<16xf32>
      %get3A_371 = arith.index_cast %add3A_293 : i32 to index
      %get3A_372 = arith.constant 112 : index
      %get3A_373 = tpu.vector_load %arg6[%get3A_371, %get3A_372] {strides = array<i32>} : memref<200x128xi32, #tpu.memory_space<vmem>>, vector<1x16xi32>,
      %get3A_374 = vector.shape_cast %get3A_373 : vector<1x16xi32> to vector<16xi32>
      %shift_left3A_375 = arith.constant 16 : i32
      %shift_left3A_376 = vector.broadcast %shift_left3A_375 : i32 to vector<16xi32>
      %shift_left3A_377 = arith.shli %get3A_374, %shift_left3A_376 : vector<16xi32>
      %bitcast_convert_type3A_378 = tpu.bitcast %shift_left3A_377 : vector<16xi32> -> vector<16xf32>
      %bitcast_convert_type3A_379 = tpu.bitcast %get3A_374 : vector<16xi32> -> vector<16xf32>
      %add3A_380 = arith.addf %add3A_288, %bitcast_convert_type3A_378 : vector<16xf32>
      %add3A_381 = arith.addf %add3A_289, %bitcast_convert_type3A_379 : vector<16xf32>
      scf.yield %add3A_303, %add3A_304, %add3A_314, %add3A_315, %add3A_325, %add3A_326, %add3A_336, %add3A_337, %add3A_347, %add3A_348, %add3A_358, %add3A_359, %add3A_369, %add3A_370, %add3A_380, %add3A_381 : vector<16xf32>, vector<16xf32>, vector<16xf32>, vector<16xf32>, vector<16xf32>, vector<16xf32>, vector<16xf32>, vector<16xf32>, vector<16xf32>, vector<16xf32>, vector<16xf32>, vector<16xf32>, vector<16xf32>, vector<16xf32>, vector<16xf32>, vector<16xf32>
    }
    %scan3A_118 = arith.constant 100 : i32
    %swap3A = arith.constant 0 : index
    %swap3A_119 = tpu.vector_load %arg9[%swap3A] {strides = array<i32>} : memref<256xf32, #tpu.memory_space<vmem>>, vector<16xf32>,
    %swap3A_120 = vector.shape_cast %swap3A_119 : vector<16xf32> to vector<16xf32>
    %swap3A_121 = vector.shape_cast %scan3A_117#0 : vector<16xf32> to vector<16xf32>
    tpu.vector_store %arg9[%swap3A], %swap3A_121 {strides = array<i32>} : memref<256xf32, #tpu.memory_space<vmem>>, vector<16xf32>,
    %swap3A_122 = arith.constant 128 : index
    %swap3A_123 = tpu.vector_load %arg9[%swap3A_122] {strides = array<i32>} : memref<256xf32, #tpu.memory_space<vmem>>, vector<16xf32>,
    %swap3A_124 = vector.shape_cast %swap3A_123 : vector<16xf32> to vector<16xf32>
    %swap3A_125 = vector.shape_cast %scan3A_117#1 : vector<16xf32> to vector<16xf32>
    tpu.vector_store %arg9[%swap3A_122], %swap3A_125 {strides = array<i32>} : memref<256xf32, #tpu.memory_space<vmem>>, vector<16xf32>,
    %swap3A_126 = arith.constant 16 : index
    %swap3A_127 = tpu.vector_load %arg9[%swap3A_126] {strides = array<i32>} : memref<256xf32, #tpu.memory_space<vmem>>, vector<16xf32>,
    %swap3A_128 = vector.shape_cast %swap3A_127 : vector<16xf32> to vector<16xf32>
    %swap3A_129 = vector.shape_cast %scan3A_117#2 : vector<16xf32> to vector<16xf32>
    tpu.vector_store %arg9[%swap3A_126], %swap3A_129 {strides = array<i32>} : memref<256xf32, #tpu.memory_space<vmem>>, vector<16xf32>,
    %swap3A_130 = arith.constant 144 : index
    %swap3A_131 = tpu.vector_load %arg9[%swap3A_130] {strides = array<i32>} : memref<256xf32, #tpu.memory_space<vmem>>, vector<16xf32>,
    %swap3A_132 = vector.shape_cast %swap3A_131 : vector<16xf32> to vector<16xf32>
    %swap3A_133 = vector.shape_cast %scan3A_117#3 : vector<16xf32> to vector<16xf32>
    tpu.vector_store %arg9[%swap3A_130], %swap3A_133 {strides = array<i32>} : memref<256xf32, #tpu.memory_space<vmem>>, vector<16xf32>,
    %swap3A_134 = arith.constant 32 : index
    %swap3A_135 = tpu.vector_load %arg9[%swap3A_134] {strides = array<i32>} : memref<256xf32, #tpu.memory_space<vmem>>, vector<16xf32>,
    %swap3A_136 = vector.shape_cast %swap3A_135 : vector<16xf32> to vector<16xf32>
    %swap3A_137 = vector.shape_cast %scan3A_117#4 : vector<16xf32> to vector<16xf32>
    tpu.vector_store %arg9[%swap3A_134], %swap3A_137 {strides = array<i32>} : memref<256xf32, #tpu.memory_space<vmem>>, vector<16xf32>,
    %swap3A_138 = arith.constant 160 : index
    %swap3A_139 = tpu.vector_load %arg9[%swap3A_138] {strides = array<i32>} : memref<256xf32, #tpu.memory_space<vmem>>, vector<16xf32>,
    %swap3A_140 = vector.shape_cast %swap3A_139 : vector<16xf32> to vector<16xf32>
    %swap3A_141 = vector.shape_cast %scan3A_117#5 : vector<16xf32> to vector<16xf32>
    tpu.vector_store %arg9[%swap3A_138], %swap3A_141 {strides = array<i32>} : memref<256xf32, #tpu.memory_space<vmem>>, vector<16xf32>,
    %swap3A_142 = arith.constant 48 : index
    %swap3A_143 = tpu.vector_load %arg9[%swap3A_142] {strides = array<i32>} : memref<256xf32, #tpu.memory_space<vmem>>, vector<16xf32>,
    %swap3A_144 = vector.shape_cast %swap3A_143 : vector<16xf32> to vector<16xf32>
    %swap3A_145 = vector.shape_cast %scan3A_117#6 : vector<16xf32> to vector<16xf32>
    tpu.vector_store %arg9[%swap3A_142], %swap3A_145 {strides = array<i32>} : memref<256xf32, #tpu.memory_space<vmem>>, vector<16xf32>,
    %swap3A_146 = arith.constant 176 : index
    %swap3A_147 = tpu.vector_load %arg9[%swap3A_146] {strides = array<i32>} : memref<256xf32, #tpu.memory_space<vmem>>, vector<16xf32>,
    %swap3A_148 = vector.shape_cast %swap3A_147 : vector<16xf32> to vector<16xf32>
    %swap3A_149 = vector.shape_cast %scan3A_117#7 : vector<16xf32> to vector<16xf32>
    tpu.vector_store %arg9[%swap3A_146], %swap3A_149 {strides = array<i32>} : memref<256xf32, #tpu.memory_space<vmem>>, vector<16xf32>,
    %swap3A_150 = arith.constant 64 : index
    %swap3A_151 = tpu.vector_load %arg9[%swap3A_150] {strides = array<i32>} : memref<256xf32, #tpu.memory_space<vmem>>, vector<16xf32>,
    %swap3A_152 = vector.shape_cast %swap3A_151 : vector<16xf32> to vector<16xf32>
    %swap3A_153 = vector.shape_cast %scan3A_117#8 : vector<16xf32> to vector<16xf32>
    tpu.vector_store %arg9[%swap3A_150], %swap3A_153 {strides = array<i32>} : memref<256xf32, #tpu.memory_space<vmem>>, vector<16xf32>,
    %swap3A_154 = arith.constant 192 : index
    %swap3A_155 = tpu.vector_load %arg9[%swap3A_154] {strides = array<i32>} : memref<256xf32, #tpu.memory_space<vmem>>, vector<16xf32>,
    %swap3A_156 = vector.shape_cast %swap3A_155 : vector<16xf32> to vector<16xf32>
    %swap3A_157 = vector.shape_cast %scan3A_117#9 : vector<16xf32> to vector<16xf32>
    tpu.vector_store %arg9[%swap3A_154], %swap3A_157 {strides = array<i32>} : memref<256xf32, #tpu.memory_space<vmem>>, vector<16xf32>,
    %swap3A_158 = arith.constant 80 : index
    %swap3A_159 = tpu.vector_load %arg9[%swap3A_158] {strides = array<i32>} : memref<256xf32, #tpu.memory_space<vmem>>, vector<16xf32>,
    %swap3A_160 = vector.shape_cast %swap3A_159 : vector<16xf32> to vector<16xf32>
    %swap3A_161 = vector.shape_cast %scan3A_117#10 : vector<16xf32> to vector<16xf32>
    tpu.vector_store %arg9[%swap3A_158], %swap3A_161 {strides = array<i32>} : memref<256xf32, #tpu.memory_space<vmem>>, vector<16xf32>,
    %swap3A_162 = arith.constant 208 : index
    %swap3A_163 = tpu.vector_load %arg9[%swap3A_162] {strides = array<i32>} : memref<256xf32, #tpu.memory_space<vmem>>, vector<16xf32>,
    %swap3A_164 = vector.shape_cast %swap3A_163 : vector<16xf32> to vector<16xf32>
    %swap3A_165 = vector.shape_cast %scan3A_117#11 : vector<16xf32> to vector<16xf32>
    tpu.vector_store %arg9[%swap3A_162], %swap3A_165 {strides = array<i32>} : memref<256xf32, #tpu.memory_space<vmem>>, vector<16xf32>,
    %swap3A_166 = arith.constant 96 : index
    %swap3A_167 = tpu.vector_load %arg9[%swap3A_166] {strides = array<i32>} : memref<256xf32, #tpu.memory_space<vmem>>, vector<16xf32>,
    %swap3A_168 = vector.shape_cast %swap3A_167 : vector<16xf32> to vector<16xf32>
    %swap3A_169 = vector.shape_cast %scan3A_117#12 : vector<16xf32> to vector<16xf32>
    tpu.vector_store %arg9[%swap3A_166], %swap3A_169 {strides = array<i32>} : memref<256xf32, #tpu.memory_space<vmem>>, vector<16xf32>,
    %swap3A_170 = arith.constant 224 : index
    %swap3A_171 = tpu.vector_load %arg9[%swap3A_170] {strides = array<i32>} : memref<256xf32, #tpu.memory_space<vmem>>, vector<16xf32>,
    %swap3A_172 = vector.shape_cast %swap3A_171 : vector<16xf32> to vector<16xf32>
    %swap3A_173 = vector.shape_cast %scan3A_117#13 : vector<16xf32> to vector<16xf32>
    tpu.vector_store %arg9[%swap3A_170], %swap3A_173 {strides = array<i32>} : memref<256xf32, #tpu.memory_space<vmem>>, vector<16xf32>,
    %swap3A_174 = arith.constant 112 : index
    %swap3A_175 = tpu.vector_load %arg9[%swap3A_174] {strides = array<i32>} : memref<256xf32, #tpu.memory_space<vmem>>, vector<16xf32>,
    %swap3A_176 = vector.shape_cast %swap3A_175 : vector<16xf32> to vector<16xf32>
    %swap3A_177 = vector.shape_cast %scan3A_117#14 : vector<16xf32> to vector<16xf32>
    tpu.vector_store %arg9[%swap3A_174], %swap3A_177 {strides = array<i32>} : memref<256xf32, #tpu.memory_space<vmem>>, vector<16xf32>,
    %swap3A_178 = arith.constant 240 : index
    %swap3A_179 = tpu.vector_load %arg9[%swap3A_178] {strides = array<i32>} : memref<256xf32, #tpu.memory_space<vmem>>, vector<16xf32>,
    %swap3A_180 = vector.shape_cast %swap3A_179 : vector<16xf32> to vector<16xf32>
    %swap3A_181 = vector.shape_cast %scan3A_117#15 : vector<16xf32> to vector<16xf32>
    tpu.vector_store %arg9[%swap3A_178], %swap3A_181 {strides = array<i32>} : memref<256xf32, #tpu.memory_space<vmem>>, vector<16xf32>,
    %add3A_182 = arith.constant 255 : i32
    %add3A_183 = arith.addi %mul3A_2, %add3A_182 : i32
    "tpu.region"() ({
      %run_scoped3A = tpu.sem_alloc : memref<!tpu.dma_semaphore, #tpu.memory_space<semaphore_mem>>
      %dma_start3A_184 = arith.constant 0 : i32
      %dma_start3A_185 = tpu.memref_slice %arg4[%add3A_183, %dma_start3A_184] : memref<8192x256xf32, #tpu.memory_space<hbm>> -> memref<1x256xf32, #tpu.memory_space<hbm>>
      %dma_start3A_186 = tpu.memref_squeeze %dma_start3A_185 : memref<1x256xf32, #tpu.memory_space<hbm>> -> memref<256xf32, #tpu.memory_space<hbm>>
      %dma_start3A_187 = arith.constant 0 : i32
      %dma_start3A_188 = tpu.memref_slice %arg4[%add3A_183, %dma_start3A_187] : memref<8192x256xf32, #tpu.memory_space<hbm>> -> memref<1x256xf32, #tpu.memory_space<hbm>>
      %dma_start3A_189 = tpu.memref_squeeze %dma_start3A_188 : memref<1x256xf32, #tpu.memory_space<hbm>> -> memref<256xf32, #tpu.memory_space<hbm>>
      tpu.enqueue_dma source(%arg9 : memref<256xf32, #tpu.memory_space<vmem>>) target(%dma_start3A_189 : memref<256xf32, #tpu.memory_space<hbm>>) target_semaphore(%run_scoped3A : memref<!tpu.dma_semaphore, #tpu.memory_space<semaphore_mem>>)
      %dma_wait3A_190 = arith.constant 0 : i32
      %dma_wait3A_191 = tpu.memref_slice %arg4[%add3A_183, %dma_wait3A_190] : memref<8192x256xf32, #tpu.memory_space<hbm>> -> memref<1x256xf32, #tpu.memory_space<hbm>>
      %dma_wait3A_192 = tpu.memref_squeeze %dma_wait3A_191 : memref<1x256xf32, #tpu.memory_space<hbm>> -> memref<256xf32, #tpu.memory_space<hbm>>
      %dma_wait3A_193 = arith.constant 0 : i32
      %dma_wait3A_194 = tpu.memref_slice %arg4[%add3A_183, %dma_wait3A_193] : memref<8192x256xf32, #tpu.memory_space<hbm>> -> memref<1x256xf32, #tpu.memory_space<hbm>>
      %dma_wait3A_195 = tpu.memref_squeeze %dma_wait3A_194 : memref<1x256xf32, #tpu.memory_space<hbm>> -> memref<256xf32, #tpu.memory_space<hbm>>
      tpu.wait_dma2 semaphore(%run_scoped3A : memref<!tpu.dma_semaphore, #tpu.memory_space<semaphore_mem>>) src(%arg9 : memref<256xf32, #tpu.memory_space<vmem>>) dst(%dma_wait3A_195 : memref<256xf32, #tpu.memory_space<hbm>>)
      tpu.yield
    }) : () -> ()
    return
  }
}

module attributes {stable_mosaic.version = 14 : i64} {
  func.func @body(%arg0: i32, %arg1: memref<10000x64xbf16, #tpu.memory_space<vmem>>, %arg2: memref<64x256xbf16, #tpu.memory_space<vmem>>, %arg3: memref<1x256xf32, #tpu.memory_space<vmem>>, %arg4: memref<10000x128xi32, #tpu.memory_space<vmem>>) attributes {dimension_semantics = [#tpu.dimension_semantics<arbitrary>], iteration_bounds = array<i64: 10>, scalar_prefetch = 0 : i64, scratch_operands = 0 : i64, tpu.core_type = #tpu.core_type<tc>, window_params = [{transform_indices = @transform_0, window_bounds = array<i64: 10000, 64>}, {pipeline_mode = #tpu.pipeline_mode<synchronous>, transform_indices = @transform_1, window_bounds = array<i64: 64, 256>}, {pipeline_mode = #tpu.pipeline_mode<synchronous>, transform_indices = @transform_2, window_bounds = array<i64: 1, 256>}, {transform_indices = @transform_3, window_bounds = array<i64: 10000, 128>}]} {
    %get3A = arith.constant 0 : index
    %get3A_0 = arith.constant 0 : index
    %get3A_1 = vector.load %arg1[%get3A, %get3A_0] : memref<10000x64xbf16, #tpu.memory_space<vmem>>, vector<10000x64xbf16>
    %get3A_2 = arith.constant 0 : index
    %get3A_3 = arith.constant 0 : index
    %get3A_4 = vector.load %arg2[%get3A_2, %get3A_3] : memref<64x256xbf16, #tpu.memory_space<vmem>>, vector<64x256xbf16>
    %dot_general3A = arith.constant dense<0.000000e+00> : vector<10000x256xf32>
    %dot_general3A_5 = tpu.matmul %get3A_1, %get3A_4, %dot_general3A {dimension_numbers = #tpu.dot_dimension_numbers<[1], [0], [0], [1], [0, 0, 1, 1], [], []>, transpose_lhs_hint = false} : vector<10000x64xbf16>, vector<64x256xbf16>, vector<10000x256xf32> -> vector<10000x256xf32>
    %get3A_6 = arith.constant 0 : index
    %get3A_7 = arith.constant 0 : index
    %get3A_8 = vector.load %arg3[%get3A_6, %get3A_7] : memref<1x256xf32, #tpu.memory_space<vmem>>, vector<1x256xf32>
    %add3A = vector.broadcast %get3A_8 : vector<1x256xf32> to vector<10000x256xf32>
    %add3A_9 = arith.addf %dot_general3A_5, %add3A : vector<10000x256xf32>
    %max3A = arith.constant 0.000000e+00 : f32
    %max3A_10 = vector.broadcast %max3A : f32 to vector<10000x256xf32>
    %max3A_11 = arith.maximumf %add3A_9, %max3A_10 : vector<10000x256xf32>
    %convert_element_type3A = arith.truncf %max3A_11 : vector<10000x256xf32> to vector<10000x256xbf16>
    %slice3A = vector.extract_strided_slice %convert_element_type3A {offsets = [0, 0], sizes = [10000, 128], strides = [1, 1]} : vector<10000x256xbf16> to vector<10000x128xbf16>
    %bitcast_convert_type3A = tpu.bitcast %slice3A : vector<10000x128xbf16> -> vector<10000x128xi16>
    %convert_element_type3A_12 = arith.extui %bitcast_convert_type3A : vector<10000x128xi16> to vector<10000x128xi32>
    %slice3A_13 = vector.extract_strided_slice %convert_element_type3A {offsets = [0, 128], sizes = [10000, 128], strides = [1, 1]} : vector<10000x256xbf16> to vector<10000x128xbf16>
    %bitcast_convert_type3A_14 = tpu.bitcast %slice3A_13 : vector<10000x128xbf16> -> vector<10000x128xi16>
    %convert_element_type3A_15 = arith.extui %bitcast_convert_type3A_14 : vector<10000x128xi16> to vector<10000x128xi32>
    %shift_left3A = arith.constant 16 : i32
    %shift_left3A_16 = vector.broadcast %shift_left3A : i32 to vector<10000x128xi32>
    %shift_left3A_17 = arith.shli %convert_element_type3A_15, %shift_left3A_16 : vector<10000x128xi32>
    %or3A = arith.ori %convert_element_type3A_12, %shift_left3A_17 : vector<10000x128xi32>
    %swap3A = arith.constant 0 : index
    %swap3A_18 = arith.constant 0 : index
    %swap3A_19 = vector.load %arg4[%swap3A, %swap3A_18] : memref<10000x128xi32, #tpu.memory_space<vmem>>, vector<10000x128xi32>
    tpu.vector_store %arg4[%swap3A, %swap3A_18], %or3A {strides = array<i32>} : memref<10000x128xi32, #tpu.memory_space<vmem>>, vector<10000x128xi32>,
    return
  }
  func.func @transform_0(%arg0: i32) -> (i32, i32) {
    %c0_i32 = arith.constant 0 : i32
    %c0_i32_0 = arith.constant 0 : i32
    return %arg0, %c0_i32 : i32, i32
  }
  func.func @transform_1(%arg0: i32) -> (i32, i32) {
    %c0_i32 = arith.constant 0 : i32
    %c0_i32_0 = arith.constant 0 : i32
    %c0_i32_1 = arith.constant 0 : i32
    return %c0_i32, %c0_i32_0 : i32, i32
  }
  func.func @transform_2(%arg0: i32) -> (i32, i32) {
    %c0_i32 = arith.constant 0 : i32
    %c0_i32_0 = arith.constant 0 : i32
    %c0_i32_1 = arith.constant 0 : i32
    return %c0_i32, %c0_i32_0 : i32, i32
  }
  func.func @transform_3(%arg0: i32) -> (i32, i32) {
    %c0_i32 = arith.constant 0 : i32
    %c0_i32_0 = arith.constant 0 : i32
    return %arg0, %c0_i32 : i32, i32
  }
}

module attributes {stable_mosaic.version = 14 : i64} {
  func.func @body(%arg0: i32, %arg1: memref<512x256xf32, #tpu.memory_space<vmem>>, %arg2: memref<512x256xf32, #tpu.memory_space<vmem>>, %arg3: memref<512x512xf32, #tpu.memory_space<vmem>>, %arg4: memref<1x512xf32, #tpu.memory_space<vmem>>, %arg5: memref<512x128xf32, #tpu.memory_space<vmem>>, %arg6: memref<1x128xf32, #tpu.memory_space<vmem>>, %arg7: memref<512x128xf32, #tpu.memory_space<vmem>>, %arg8: memref<512x128xf32, #tpu.memory_space<vmem>>, %arg9: memref<1x1xf32, #tpu.memory_space<vmem>>) attributes {dimension_semantics = [#tpu.dimension_semantics<arbitrary>], iteration_bounds = array<i64: 8>, scalar_prefetch = 0 : i64, scratch_operands = 0 : i64, tpu.core_type = #tpu.core_type<tc>, window_params = [{transform_indices = @transform_0, window_bounds = array<i64: 512, 256>}, {transform_indices = @transform_1, window_bounds = array<i64: 512, 256>}, {pipeline_mode = #tpu.pipeline_mode<synchronous>, transform_indices = @transform_2, window_bounds = array<i64: 512, 512>}, {pipeline_mode = #tpu.pipeline_mode<synchronous>, transform_indices = @transform_3, window_bounds = array<i64: 1, 512>}, {pipeline_mode = #tpu.pipeline_mode<synchronous>, transform_indices = @transform_4, window_bounds = array<i64: 512, 128>}, {pipeline_mode = #tpu.pipeline_mode<synchronous>, transform_indices = @transform_5, window_bounds = array<i64: 1, 128>}, {transform_indices = @transform_6, window_bounds = array<i64: 512, 128>}, {transform_indices = @transform_7, window_bounds = array<i64: 512, 128>}, {pipeline_mode = #tpu.pipeline_mode<synchronous>, transform_indices = @transform_8, window_bounds = array<i64: 1, 1>}]} {
    %get3A = arith.constant 0 : index
    %get3A_0 = arith.constant 0 : index
    %get3A_1 = vector.load %arg1[%get3A, %get3A_0] : memref<512x256xf32, #tpu.memory_space<vmem>>, vector<512x256xf32>
    %get3A_2 = arith.constant 0 : index
    %get3A_3 = arith.constant 0 : index
    %get3A_4 = vector.load %arg2[%get3A_2, %get3A_3] : memref<512x256xf32, #tpu.memory_space<vmem>>, vector<512x256xf32>
    %concatenate3A = tpu.concatenate %get3A_1, %get3A_4 in 1 : vector<512x256xf32>, vector<512x256xf32> -> vector<512x512xf32>
    %get3A_5 = arith.constant 0 : index
    %get3A_6 = arith.constant 0 : index
    %get3A_7 = vector.load %arg3[%get3A_5, %get3A_6] : memref<512x512xf32, #tpu.memory_space<vmem>>, vector<512x512xf32>
    %dot_general3A = arith.constant dense<0.000000e+00> : vector<512x512xf32>
    %dot_general3A_8 = tpu.matmul %concatenate3A, %get3A_7, %dot_general3A {dimension_numbers = #tpu.dot_dimension_numbers<[1], [0], [0], [1], [0, 0, 1, 1], [], []>, transpose_lhs_hint = false} : vector<512x512xf32>, vector<512x512xf32>, vector<512x512xf32> -> vector<512x512xf32>
    %get3A_9 = arith.constant 0 : index
    %get3A_10 = arith.constant 0 : index
    %get3A_11 = vector.load %arg4[%get3A_9, %get3A_10] : memref<1x512xf32, #tpu.memory_space<vmem>>, vector<1x512xf32>
    %add3A = vector.broadcast %get3A_11 : vector<1x512xf32> to vector<512x512xf32>
    %add3A_12 = arith.addf %dot_general3A_8, %add3A : vector<512x512xf32>
    %max3A = arith.constant 0.000000e+00 : f32
    %max3A_13 = vector.broadcast %max3A : f32 to vector<512x512xf32>
    %max3A_14 = arith.maximumf %add3A_12, %max3A_13 : vector<512x512xf32>
    %get3A_15 = arith.constant 0 : index
    %get3A_16 = arith.constant 0 : index
    %get3A_17 = vector.load %arg5[%get3A_15, %get3A_16] : memref<512x128xf32, #tpu.memory_space<vmem>>, vector<512x128xf32>
    %dot_general3A_18 = arith.constant dense<0.000000e+00> : vector<512x128xf32>
    %dot_general3A_19 = tpu.matmul %max3A_14, %get3A_17, %dot_general3A_18 {dimension_numbers = #tpu.dot_dimension_numbers<[1], [0], [0], [1], [0, 0, 1, 1], [], []>, transpose_lhs_hint = false} : vector<512x512xf32>, vector<512x128xf32>, vector<512x128xf32> -> vector<512x128xf32>
    %get3A_20 = arith.constant 0 : index
    %get3A_21 = arith.constant 0 : index
    %get3A_22 = vector.load %arg6[%get3A_20, %get3A_21] : memref<1x128xf32, #tpu.memory_space<vmem>>, vector<1x128xf32>
    %add3A_23 = vector.broadcast %get3A_22 : vector<1x128xf32> to vector<512x128xf32>
    %add3A_24 = arith.addf %dot_general3A_19, %add3A_23 : vector<512x128xf32>
    %swap3A = arith.constant 0 : index
    %swap3A_25 = arith.constant 0 : index
    %swap3A_26 = vector.load %arg8[%swap3A, %swap3A_25] : memref<512x128xf32, #tpu.memory_space<vmem>>, vector<512x128xf32>
    tpu.vector_store %arg8[%swap3A, %swap3A_25], %add3A_24 {strides = array<i32>} : memref<512x128xf32, #tpu.memory_space<vmem>>, vector<512x128xf32>,
    %iota3A = tpu.iota {dimensions = array<i32: 1>} : vector<512x128xi32>
    %lt3A = arith.constant 3 : i32
    %lt3A_27 = vector.broadcast %lt3A : i32 to vector<512x128xi32>
    %lt3A_28 = arith.cmpi slt, %iota3A, %lt3A_27 : vector<512x128xi32>
    %jit3A = arith.constant -1.000000e+30 : f32
    %broadcast_in_dim3A = vector.broadcast %jit3A : f32 to vector<512x128xf32>
    %select_n3A = arith.select %lt3A_28, %add3A_24, %broadcast_in_dim3A : vector<512x128xi1>, vector<512x128xf32>
    %reduce_max3A = arith.constant dense<0xFF800000> : vector<512xf32>
    %reduce_max3A_29 = vector.multi_reduction <maximumf>, %select_n3A, %reduce_max3A [1] : vector<512x128xf32> to vector<512xf32>
    %broadcast_in_dim3A_30 = vector.shape_cast %reduce_max3A_29 : vector<512xf32> to vector<512x1xf32>
    %sub3A = vector.broadcast %broadcast_in_dim3A_30 : vector<512x1xf32> to vector<512x128xf32>
    %sub3A_31 = arith.subf %add3A_24, %sub3A : vector<512x128xf32>
    %exp3A = math.exp %sub3A_31 : vector<512x128xf32>
    %jit3A_32 = arith.constant 0.000000e+00 : f32
    %broadcast_in_dim3A_33 = vector.broadcast %jit3A_32 : f32 to vector<512x128xf32>
    %select_n3A_34 = arith.select %lt3A_28, %exp3A, %broadcast_in_dim3A_33 : vector<512x128xi1>, vector<512x128xf32>
    %reduce_sum3A = arith.constant dense<0.000000e+00> : vector<512xf32>
    %reduce_sum3A_35 = vector.multi_reduction <add>, %select_n3A_34, %reduce_sum3A [1] : vector<512x128xf32> to vector<512xf32>
    %broadcast_in_dim3A_36 = vector.shape_cast %reduce_sum3A_35 : vector<512xf32> to vector<512x1xf32>
    %sub3A_37 = vector.broadcast %broadcast_in_dim3A_30 : vector<512x1xf32> to vector<512x128xf32>
    %sub3A_38 = arith.subf %add3A_24, %sub3A_37 : vector<512x128xf32>
    %log3A = math.log %broadcast_in_dim3A_36 : vector<512x1xf32>
    %sub3A_39 = vector.broadcast %log3A : vector<512x1xf32> to vector<512x128xf32>
    %sub3A_40 = arith.subf %sub3A_38, %sub3A_39 : vector<512x128xf32>
    %get3A_41 = arith.constant 0 : index
    %get3A_42 = arith.constant 0 : index
    %get3A_43 = vector.load %arg7[%get3A_41, %get3A_42] : memref<512x128xf32, #tpu.memory_space<vmem>>, vector<512x128xf32>
    %mul3A = arith.mulf %sub3A_40, %get3A_43 : vector<512x128xf32>
    %jit3A_44 = arith.constant 0.000000e+00 : f32
    %broadcast_in_dim3A_45 = vector.broadcast %jit3A_44 : f32 to vector<512x128xf32>
    %select_n3A_46 = arith.select %lt3A_28, %mul3A, %broadcast_in_dim3A_45 : vector<512x128xi1>, vector<512x128xf32>
    %reduce_sum3A_47 = vector.shape_cast %select_n3A_46 : vector<512x128xf32> to vector<1x512x128xf32>
    %reduce_sum3A_48 = arith.constant dense<0.000000e+00> : vector<1xf32>
    %reduce_sum3A_49 = vector.multi_reduction <add>, %reduce_sum3A_47, %reduce_sum3A_48 [1, 2] : vector<1x512x128xf32> to vector<1xf32>
    %reduce_sum3A_50 = vector.shape_cast %reduce_sum3A_49 : vector<1xf32> to vector<1x1x1xf32>
    %reduce_sum3A_51 = vector.extract %reduce_sum3A_50[0, 0, 0] : f32 from vector<1x1x1xf32>
    %eq3A = arith.constant 0 : i32
    %eq3A_52 = arith.cmpi eq, %arg0, %eq3A : i32
    %convert_element_type3A = arith.extui %eq3A_52 : i1 to i32
    %cond3A = arith.constant 0 : i32
    %cond3A_53 = arith.cmpi ne, %convert_element_type3A, %cond3A : i32
    scf.if %cond3A_53 {
      %broadcast_in_dim3A_66 = arith.constant 0.000000e+00 : f32
      %broadcast_in_dim3A_67 = vector.broadcast %broadcast_in_dim3A_66 : f32 to vector<1x1xf32>
      %swap3A_68 = arith.constant 0 : index
      %swap3A_69 = arith.constant 0 : index
      %swap3A_70 = vector.load %arg9[%swap3A_68, %swap3A_69] : memref<1x1xf32, #tpu.memory_space<vmem>>, vector<1x1xf32>
      tpu.vector_store %arg9[%swap3A_68, %swap3A_69], %broadcast_in_dim3A_67 {strides = array<i32>} : memref<1x1xf32, #tpu.memory_space<vmem>>, vector<1x1xf32>,
    } else {
    }
    %get3A_54 = arith.constant 0 : index
    %get3A_55 = arith.constant 0 : index
    %get3A_56 = vector.load %arg9[%get3A_54, %get3A_55] : memref<1x1xf32, #tpu.memory_space<vmem>>, vector<1x1xf32>
    %reshape3A = vector.broadcast %reduce_sum3A_51 : f32 to vector<1x1xf32>
    %add3A_57 = arith.addf %get3A_56, %reshape3A : vector<1x1xf32>
    %swap3A_58 = arith.constant 0 : index
    %swap3A_59 = arith.constant 0 : index
    %swap3A_60 = vector.load %arg9[%swap3A_58, %swap3A_59] : memref<1x1xf32, #tpu.memory_space<vmem>>, vector<1x1xf32>
    tpu.vector_store %arg9[%swap3A_58, %swap3A_59], %add3A_57 {strides = array<i32>} : memref<1x1xf32, #tpu.memory_space<vmem>>, vector<1x1xf32>,
    %eq3A_61 = arith.constant 7 : i32
    %eq3A_62 = arith.cmpi eq, %arg0, %eq3A_61 : i32
    %convert_element_type3A_63 = arith.extui %eq3A_62 : i1 to i32
    %cond3A_64 = arith.constant 0 : i32
    %cond3A_65 = arith.cmpi ne, %convert_element_type3A_63, %cond3A_64 : i32
    scf.if %cond3A_65 {
      %get3A_66 = arith.constant 0 : index
      %get3A_67 = arith.constant 0 : index
      %get3A_68 = vector.load %arg9[%get3A_66, %get3A_67] : memref<1x1xf32, #tpu.memory_space<vmem>>, vector<1x1xf32>
      %mul3A_69 = arith.constant -2.44140625E-4 : f32
      %mul3A_70 = vector.broadcast %mul3A_69 : f32 to vector<1x1xf32>
      %mul3A_71 = arith.mulf %get3A_68, %mul3A_70 : vector<1x1xf32>
      %swap3A_72 = arith.constant 0 : index
      %swap3A_73 = arith.constant 0 : index
      %swap3A_74 = vector.load %arg9[%swap3A_72, %swap3A_73] : memref<1x1xf32, #tpu.memory_space<vmem>>, vector<1x1xf32>
      tpu.vector_store %arg9[%swap3A_72, %swap3A_73], %mul3A_71 {strides = array<i32>} : memref<1x1xf32, #tpu.memory_space<vmem>>, vector<1x1xf32>,
    } else {
    }
    return
  }
  func.func @transform_0(%arg0: i32) -> (i32, i32) {
    %c0_i32 = arith.constant 0 : i32
    %c0_i32_0 = arith.constant 0 : i32
    return %arg0, %c0_i32 : i32, i32
  }
  func.func @transform_1(%arg0: i32) -> (i32, i32) {
    %c0_i32 = arith.constant 0 : i32
    %c0_i32_0 = arith.constant 0 : i32
    return %arg0, %c0_i32 : i32, i32
  }
  func.func @transform_2(%arg0: i32) -> (i32, i32) {
    %c0_i32 = arith.constant 0 : i32
    %c0_i32_0 = arith.constant 0 : i32
    %c0_i32_1 = arith.constant 0 : i32
    return %c0_i32, %c0_i32_0 : i32, i32
  }
  func.func @transform_3(%arg0: i32) -> (i32, i32) {
    %c0_i32 = arith.constant 0 : i32
    %c0_i32_0 = arith.constant 0 : i32
    %c0_i32_1 = arith.constant 0 : i32
    return %c0_i32, %c0_i32_0 : i32, i32
  }
  func.func @transform_4(%arg0: i32) -> (i32, i32) {
    %c0_i32 = arith.constant 0 : i32
    %c0_i32_0 = arith.constant 0 : i32
    %c0_i32_1 = arith.constant 0 : i32
    return %c0_i32, %c0_i32_0 : i32, i32
  }
  func.func @transform_5(%arg0: i32) -> (i32, i32) {
    %c0_i32 = arith.constant 0 : i32
    %c0_i32_0 = arith.constant 0 : i32
    %c0_i32_1 = arith.constant 0 : i32
    return %c0_i32, %c0_i32_0 : i32, i32
  }
  func.func @transform_6(%arg0: i32) -> (i32, i32) {
    %c0_i32 = arith.constant 0 : i32
    %c0_i32_0 = arith.constant 0 : i32
    return %arg0, %c0_i32 : i32, i32
  }
  func.func @transform_7(%arg0: i32) -> (i32, i32) {
    %c0_i32 = arith.constant 0 : i32
    %c0_i32_0 = arith.constant 0 : i32
    return %arg0, %c0_i32 : i32, i32
  }
  func.func @transform_8(%arg0: i32) -> (i32, i32) {
    %c0_i32 = arith.constant 0 : i32
    %c0_i32_0 = arith.constant 0 : i32
    %c0_i32_1 = arith.constant 0 : i32
    return %c0_i32, %c0_i32_0 : i32, i32
  }
}

</mosaic_0001>

<sc_bundles>
// kernel: kernel.5.cloned.1.call-start
scs
__scs_entry_jumppad:
0x0: {  	(pc) =	sbr.rel $0x88, $3  }
0x1: {  	(tag) =	ssettag $0x0;
	lr =	simm.s32 $0x1  }
0x2: {  	[smem:$0x3F97] =	sst lr;
	_ =	strace $0xD0000000  }
0x3: {  	_ = 	snop  }
0x4: {  	_ = 	snop  }
0x5: {  	_ = 	snop  }
0x6: {  	_ = 	snop  }
0x7: {  	_ = 	snop  }
__scs_overlays_trampoline_lowered:
0x8: {  	[smem:$0x3FA6] =	sst s0  }
0x9: {  	[smem:$0x3FA7] =	sst s1  }
0xa: {  	[smem:$0x3FA8] =	sst s2  }
0xb: {  	[smem:$0x3FA9] =	sst s3  }
0xc: {  	[smem:$0x3FAA] =	sst s4  }
0xd: {  	[smem:$0x3FAB] =	sst s5  }
0xe: {  	[smem:$0x3FAC] =	sst s6  }
0xf: {  	[smem:$0x3FAD] =	sst s7  }
0x10: {  	[smem:$0x3FAE] =	sst s8  }
0x11: {  	[smem:$0x3FAF] =	sst s9;
	s0 =	simm.s32 @!p0 $0x0  }
0x12: {  	s1 =	sld [smem:$0x3F95];
	s0 =	simm.s32 @p0 $0x1  }
0x13: {  	[smem:$0x3FB0] =	sst s0;
	s0 =	simm.s32 @!p1 $0x0  }
0x14: {  	s2 =	sld [smem:$0x3F94];
	s0 =	simm.s32 @p1 $0x1  }
0x15: {  	[smem:$0x3FB1] =	sst s0;
	s0 =	simm.s32 @!p2 $0x0  }
0x16: {  	s3 =	sld [smem:$0x3FDB];
	s0 =	simm.s32 @p2 $0x1  }
0x17: {  	s4 =	simm.s32 $0x1BF5;
	[smem:$0x3FB3] =	sst s0  }
0x18: {  	s0 =	sld [smem:$0x3F96];
	_ =	swait.ge [sflag:s4], $0x0  }
0x19: {  	s7 =	sld [smem:$0x3F97]  }
0x1a: {  	s8 =	sadd.s32 $0xFFFFE003, lr  }
0x1b: {  	s9 =	sadd.s32 $0xFFFFFEF7, lr;
	s5 =	simm.s32 $0xFFFFFFFF;
	p2 =	slt.u32 s8, $0xFFFFF086  }
0x1c: {  	p1 =	slt.u32 s9, $0xF7A;
	s5 =	simm.s32 @!p2 $0x0  }
0x1d: {  	s5 =	simm.s32 @p1 $0x1;
	p0 =	seq.s32 s7, s2  }
0x1e: {  	s7 =	smul.u32 @!p0 $0xF7A, s2;
	p2 =	seq.s32 @!p0 s5, $0x0  }
0x1f: {  	s9 =	smul.u32 $0xF7A, s1;
	s8 =	simm.s32 @!p0 $0x1BF5;
	p2 =	por !p2, p0  }
0x20: {  	[sflag:s8] =	ssyncset.s32 @!p0 $0xFFFFF086;
	s6 =	sadd.s32 @!p0 s3, s7;
	s7 =	simm.s32 @!p0 $0x108  }
0x21: {  	s3 =	sadd.s32 s3, s9;
	s6 =	sadd.s32 @!p0 $0x88, s6;
	s7 =	simm.s32 @p2 $0x1082  }
0x22: {  	[simem:s7], [sflag:s8] =	dma.local @!p0 [hbm:s6], $0xF7A  }
0x23: {  	s9 =	sor.u32 $0xD0000000, s2;
	s6 =	simm.s32 $0x108;
	_ =	swait.ge @!p0 [sflag:s8], $0x0  }
0x24: {  	s3 =	sadd.s32 $0x88, s3;
	s6 =	simm.s32 @!p1 $0x1082;
	[sflag:s4] =	ssyncset.s32 $0xFFFFF086  }
0x25: {  	[simem:s6], [sflag:s4] =	dma.local [hbm:s3], $0xF7A  }
0x26: {  	[smem:$0x3F97] =	sst s1;
	(tag) =	ssettag s2;
	_ =	strace s9  }
0x27: {  	s1 =	sld [smem:$0x3FA7]  }
0x28: {  	s2 =	sld [smem:$0x3FA8]  }
0x29: {  	s4 =	sld [smem:$0x3FAA]  }
0x2a: {  	p0 =	seq.s32 s5, $0x0;
	s5 =	sld [smem:$0x3FAB]  }
0x2b: {  	s6 =	sld [smem:$0x3FAC]  }
0x2c: {  	s7 =	sld [smem:$0x3FAD]  }
0x2d: {  	s3 =	simm.s32 $0x108;
	s8 =	sld [smem:$0x3FAE]  }
0x2e: {  	s3 =	simm.s32 @!p0 $0x1082;
	s9 =	sld [smem:$0x3FAF]  }
0x2f: {  	lr =	sadd.s32 s0, s3;
	s0 =	sld [smem:$0x3FA6]  }
0x30: {  	s3 =	sld [smem:$0x3FA9]  }
0x31: {  	[smem:$0x3FB2] =	sst s10  }
0x32: {  	s10 =	sld [smem:$0x3FB0];
	_ =	sdelay $0x3  }
0x33: {  	p0 =	seq.s32 s10, $0x1;
	s10 =	sld [smem:$0x3FB2];
	_ =	sdelay $0x3  }
0x34: {  	[smem:$0x3FB2] =	sst s10  }
0x35: {  	s10 =	sld [smem:$0x3FB1];
	_ =	sdelay $0x3  }
0x36: {  	p1 =	seq.s32 s10, $0x1;
	s10 =	sld [smem:$0x3FB2];
	_ =	sdelay $0x3  }
0x37: {  	[smem:$0x3FB2] =	sst s10  }
0x38: {  	s10 =	sld [smem:$0x3FB3]  }
0x39: {  	_ = 	snop;
	(pc) =	sbr.ind lr, $3  }
0x3a: {  	_ = 	snop  }
0x3b: {  	_ = 	snop  }
0x3c: {  	p2 =	seq.s32 s10, $0x1;
	s10 =	sld [smem:$0x3FB2]  }
0x3d: {  	_ =	shalt  }
0x3e: {  	_ =	shalt  }
0x3f: {  	_ =	shalt  }
0x40: {  	_ =	shalt  }
0x41: {  	_ =	shalt  }
0x42: {  	_ =	shalt  }
0x43: {  	_ =	shalt  }
0x44: {  	_ =	shalt  }
0x45: {  	_ =	shalt  }
0x46: {  	_ =	shalt  }
0x47: {  	_ =	shalt  }
0x48: {  	_ =	shalt  }
0x49: {  	_ =	shalt  }
0x4a: {  	_ =	shalt  }
0x4b: {  	_ =	shalt  }
0x4c: {  	_ =	shalt  }
0x4d: {  	_ =	shalt  }
0x4e: {  	_ =	shalt  }
0x4f: {  	_ =	shalt  }
0x50: {  	_ =	shalt  }
0x51: {  	_ =	shalt  }
0x52: {  	_ =	shalt  }
0x53: {  	_ =	shalt  }
0x54: {  	_ =	shalt  }
0x55: {  	_ =	shalt  }
0x56: {  	_ =	shalt  }
0x57: {  	_ =	shalt  }
0x58: {  	_ =	shalt  }
0x59: {  	_ =	shalt  }
0x5a: {  	_ =	shalt  }
0x5b: {  	_ =	shalt  }
0x5c: {  	_ =	shalt  }
0x5d: {  	_ =	shalt  }
0x5e: {  	_ =	shalt  }
0x5f: {  	_ =	shalt  }
0x60: {  	_ =	shalt  }
0x61: {  	_ =	shalt  }
0x62: {  	_ =	shalt  }
0x63: {  	_ =	shalt  }
0x64: {  	_ =	shalt  }
0x65: {  	_ =	shalt  }
0x66: {  	_ =	shalt  }
0x67: {  	_ =	shalt  }
0x68: {  	_ =	shalt  }
0x69: {  	_ =	shalt  }
0x6a: {  	_ =	shalt  }
0x6b: {  	_ =	shalt  }
0x6c: {  	_ =	shalt  }
0x6d: {  	_ =	shalt  }
0x6e: {  	_ =	shalt  }
0x6f: {  	_ =	shalt  }
0x70: {  	_ =	shalt  }
0x71: {  	_ =	shalt  }
0x72: {  	_ =	shalt  }
0x73: {  	_ =	shalt  }
0x74: {  	_ =	shalt  }
0x75: {  	_ =	shalt  }
0x76: {  	_ =	shalt  }
0x77: {  	_ =	shalt  }
0x78: {  	_ =	shalt  }
0x79: {  	_ =	shalt  }
0x7a: {  	_ =	shalt  }
0x7b: {  	_ =	shalt  }
0x7c: {  	_ =	shalt  }
0x7d: {  	_ =	shalt  }
0x7e: {  	_ =	shalt  }
0x7f: {  	_ =	shalt  }
0x80: {  	_ =	shalt  }
0x81: {  	_ =	shalt  }
0x82: {  	_ =	shalt  }
0x83: {  	_ =	shalt  }
0x84: {  	_ =	shalt  }
0x85: {  	_ =	shalt  }
0x86: {  	_ =	shalt  }
0x87: {  	_ =	shalt  }
.Lfunc_end0:
.L_simem_size_0:
called_computation_lowered:
.L_overlay_start_0:
0x88: {  	s2 =	sld [smem:$0x3FD9]  }
0x89: {  	s3 =	sld [smem:$0x3FFE];
	_ =	sdelay $0x1  }
0x8a: {  	s1 =	srdreg.scid  }
0x8b: {  	s0 =	sand.u32 $0x1, s1  }
0x8c: {  	s16 =	sshll.u32 s0, $0xA;
	s2 =	sadd.s32 s3, s2  }
0x8d: {  	s2 =	sadd.s32 s2, s16  }
0x8e: {  	[smem:$0x3FBE] =	sst s2  }
0x8f: {  	_ = 	snop  }
0x90: {  	(tm) =	ssettm $0x1  }
0x91: {  	s17 =	sld [smem:$0x3FFB];
	_ =	sdelay $0x3  }
0x92: {  	_ =	strace s17  }
0x93: {  	s2 =	sld [smem:$0x3FFC];
	_ =	sdelay $0x3  }
0x94: {  	_ =	strace s2  }
0x95: {  	s2 =	sld [smem:$0x3FFD];
	_ =	sdelay $0x3  }
0x96: {  	_ =	strace s2  }
0x97: {  	_ =	strace $0x8FFFFFFF  }
0x98: {  	s18 =	sld [smem:$0x3FDB];
	_ =	sdelay $0x1  }
0x99: {  	s19 =	simm.s32 $_scs_section_size  }
0x9a: {  	s4 =	simm.s32 $_size__tile_overlayer_lowered;
	s5 =	simm.s32 $_tile_overlayer_lowered  }
0x9b: {  	s22 =	simm.s32 $0x1BFF;
	s21 =	sshll.u32 s5, $0x1;
	s2 =	sadd.s32 s19, s18  }
0x9c: {  	s6 =	simm.s32 $0x0;
	s20 =	sshll.u32 s4, $0x1;
	s4 =	sadd.s32 s21, s2  }
0x9d: {  	[timem:s6], [sflag:s22] =	dma.local [hbm:s4], s20  }
0x9e: {  	_ =	swait.ge [sflag:s22], s20  }
0x9f: {  	s3 =	ssub.s32 $0x0, s20;
	[sflag:s22] =	ssyncset.done $0x0  }
0xa0: {  	[sflag:s22] =	ssyncadd.s32 s3;
	_ =	sdelay $0x1  }
0xa1: {  	s23 =	simm.s32 $0x1B8B  }
0xa2: {  	_ =	swait.ge [sflag:s23], $0x1  }
0xa3: {  	[sflag:s23] =	ssyncset.done $0x0  }
0xa4: {  	s25 =	simm.s32 $0x1B8E;
	s24 =	sld [smem:$0x3FFE];
	[sflag:s23] =	ssyncadd.s32 $0xFFFFFFFF  }
0xa5: {  	s26 =	simm.s32 $execute0_lowered;
	[smem:$0x3FD2] =	sst s25  }
0xa6: {  	s4 =	sshll.u32 s26, $0x1;
	_ =	strace $0x80000046;
	[dreg:$0x1] =	wrdreg $0xFFFFFFFF  }
0xa7: {  	s28 =	simm.s32 $_size_execute0_lowered;
	s2 =	sadd.s32 s2, s4;
	[dreg:$0x0] =	wrdreg $0x0  }
0xa8: {  	s4 =	sshll.u32 s28, $0x1;
	[dreg:$0x2] =	wrdreg s2  }
0xa9: {  	[dreg:$0x3] =	wrdreg s4  }
0xaa: {  	[dreg:$0x4] =	wrdreg $0xC0  }
0xab: {  	_ =	task [dreg:s6], $0x5FFFF  }
0xac: {  	[dreg:$0x1] =	wrdreg $0xFFFFFFFF  }
0xad: {  	[dreg:$0x0] =	wrdreg $0x60  }
0xae: {  	[dreg:$0x2] =	wrdreg s24  }
0xaf: {  	[dreg:$0x3] =	wrdreg $0x9  }
0xb0: {  	_ =	task.clear_ibuf [dreg:s6], $0x4FFFF;
	_ =	strace $0x90000046  }
0xb1: {  	s29 =	simm.s32 $0x9;
	_ =	strace $0x80000048  }
0xb2: {  	_ =	swait.ge [sflag:s29], $0x1  }
0xb3: {  	[sflag:s29] =	ssyncadd.s32 $0xFFFFFFFF  }
0xb4: {  	_ =	strace $0x90000048  }
0xb5: {  	_ =	sfence  }
0xb6: {  	s30 =	sld [smem:$0x0];
	_ =	sdelay $0x2  }
0xb7: {  	s31 =	sshll.u32 s1, $0xD;
	s1 =	sshrl.u32 s1, $0x2  }
0xb8: {  	s3 =	sand.u32 $0x4000, s31;
	s1 =	sadd.s32 s1, s30  }
0xb9: {  	s0 =	sor.u32 s3, s0;
	s1 =	sshll.u32 s1, $0x11  }
0xba: {  	s0 =	sor.u32 s1, s0  }
0xbb: {  	s0 =	sadd.s32 $0x8F2B, s0  }
0xbc: {  	[sflag:s0] =	ssyncadd.remote.s32 $0x1  }
0xbd: {  	_ =	sfence.sel $0xFFFF  }
0xbe: {  	[dreg:$0x0] =	wrdreg $0xFFFFFFFF;
	(pc) =	sbr.abs _section_cstart, $3  }
0xbf: {  	[dreg:$0x1] =	wrdreg $0xFFFFFFFF  }
0xc0: {  	_ =	task.clear_ibuf [dreg:s6], $0x2FFFF;
	_ =	strace $0x9FFFFFFF  }
0xc1: {  	(tm) =	ssettm $0x7FFFFFFF  }
tec
execute0_lowered:
.L_overlay_start_1:
0x0: {  	(tag) =	ssettag $0x1  }
0x1: {  	s0 =	srdreg.scid  }
0x2: {  	s2 =	stileid.u32;
	s1 =	rddreg [dreg:$0x0];
	s9 =	simm.s32 $0x4  }
0x3: {  	s10 =	simm.s32 $0x80;
	s11 =	simm.s32 $0xC800;
	s12 =	simm.s32 $0x48  }
0x4: {  	s13 =	simm.s32 $0x10800;
	s15 =	simm.s32 $0x12C00;
	s16 =	simm.s32 $0x148  }
0x5: {  	s17 =	simm.s32 $0x16C00;
	s18 =	simm.s32 $0x190;
	s19 =	simm.s32 $0x19000  }
0x6: {  	s20 =	simm.s32 $0x210;
	s21 =	simm.s32 $0x1D000;
	s22 =	simm.s32 $0x1  }
0x7: {  	s23 =	simm.s32 $0x400;
	s24 =	simm.s32 $0x1F400;
	s25 =	simm.s32 $0x2  }
0x8: {  	s26 =	simm.s32 $0x3;
	s28 =	simm.s32 $0x0;
	s0 =	sand.u32 $0x1, s0  }
0x9: {  	s3 =	sshll.u32 s2, $0x1;
	s2 =	simm.s32 $0x0;
	s4 =	sadd.s32 $0x1600, s1  }
0xa: {  	s5 =	sor.u32 s0, s3;
	[smem:$0x7FF] =	sst s2;
	s0 =	ssub.s32 $0x2, s0  }
0xb: {  	s3 =	smul.u32 $0x1900, s5;
	_ =	strace $0x80000047;
	s7 =	sshrl.u32 s0, $0x1  }
0xc: {  	s31 =	sshll.u32 s5, $0xD;
	s5 =	sshll.u32 s5, $0x8;
	s0 =	ssub.s32 s0, s7  }
0xd: {  	s6 =	sadd.s32 s3, s1;
	s3 =	sadd.s32 $0xF6C00, s1;
	s1 =	sadd.s32 s31, s4  }
0xe: {  	s8 =	smax.u32 s0, $0x1;
	s6 =	sadd.s32 $0xC4C00, s6;
	s7 =	sadd.s32 $0x1F70, s1  }
.LBB2_1:
0xf: {  	[tilespmem:s2], [sflag:$0x4] =	stream.linear.gather [hbm4b:s6+s2], $0xC800, $0x38;
	[tilespmem:$0x1F500] =	vst v63  }
0x10: {  	_ =	swait.ge [sflag:s9], $0xC800  }
0x11: {  	[sflag:s9] =	ssyncset.done $0x0  }
0x12: {  	[sflag:s9] =	ssyncadd.s32 $0xFFFF3800  }
0x13: {  	[tilespmem:s11], [sflag:$0x1] =	stream.indirect.gather [hbm4b:s3+s10], $0x80, s2, s10, $0xb8;
	[tilespmem:$0x1F500] =	vst v63  }
0x14: {  	_ = 	snop  }
0x15: {  	[tilespmem:s13], [sflag:$0x1] =	stream.indirect.gather [hbm4b:s3+s12], $0x80, s10, s12, $0xb8;
	[tilespmem:$0x1F500] =	vst v63  }
0x16: {  	s0 =	simm.s32 $0xC8  }
0x17: {  	[tilespmem:s15], [sflag:$0x2] =	stream.indirect.gather [hbm4b:s3+s10], $0x80, s0, s10, $0xb8;
	[tilespmem:$0x1F500] =	vst v63  }
0x18: {  	_ = 	snop  }
0x19: {  	[tilespmem:s17], [sflag:$0x2] =	stream.indirect.gather [hbm4b:s3+s12], $0x80, s16, s12, $0xb8;
	[tilespmem:$0x1F500] =	vst v63  }
0x1a: {  	_ = 	snop  }
0x1b: {  	[tilespmem:s19], [sflag:$0x3] =	stream.indirect.gather [hbm4b:s3+s10], $0x80, s18, s10, $0xb8;
	[tilespmem:$0x1F500] =	vst v63  }
0x1c: {  	s29 =	simm.s32 $0x0  }
0x1d: {  	[tilespmem:s21], [sflag:$0x3] =	stream.indirect.gather [hbm4b:s3+s12], $0x80, s20, s12, $0xb8;
	[tilespmem:$0x1F500] =	vst v63  }
.LBB2_2:
0x1e: {  	_ =	swait.ge [sflag:s22], $0x4000  }
0x1f: {  	[sflag:s22] =	ssyncset.done $0x0  }
0x20: {  	[sflag:s22] =	ssyncadd.s32 $0xFFFFC000  }
0x21: {  	_ =	swait.ge [sflag:s22], $0x2400  }
0x22: {  	[sflag:s22] =	ssyncset.done $0x0  }
0x23: {  	s30 =	simm.s32 $0x0;
	[sflag:s22] =	ssyncadd.s32 $0xFFFFDC00  }
0x24: {  	v1 =	vld [tilespmem:s30+$0xC800]  }
0x25: {  	v2 =	vld [tilespmem:s30+$0xC810]  }
0x26: {  	v3 =	vld [tilespmem:s30+$0xC880]  }
0x27: {  	v4 =	vld [tilespmem:s30+$0xC890]  }
0x28: {  	v10 =	vld [tilespmem:s30+$0xC830]  }
0x29: {  	v14 =	vld [tilespmem:s30+$0xC8B0]  }
0x2a: {  	v0 =	vimm.f32 $0.0e+00;
	v13 =	vimm.f32 $0.0e+00;
	v12 =	vimm.f32 $0.0e+00;
	v9 =	vld [tilespmem:s30+$0xC820]  }
0x2b: {  	v5 =	vshll.u32 v1, $0x10;
	v6 =	vshll.u32 v2, $0x10;
	v1 =	vadd.f32 v1, v0  }
0x2c: {  	v11 =	vld [tilespmem:s30+$0xC8A0];
	v2 =	vadd.f32 v2, v0;
	v8 =	vshll.u32 v4, $0x10;
	v5 =	vadd.f32 v5, v0  }
0x2d: {  	v21 =	vadd.f32 v10, v0;
	v7 =	vadd.f32 v6, v0;
	v6 =	vshll.u32 v3, $0x10  }
0x2e: {  	v22 =	vshll.u32 v14, $0x10;
	v5 =	vadd.f32 v6, v5;
	v6 =	vadd.f32 v3, v1  }
0x2f: {  	v17 =	vld [tilespmem:s30+$0xC840];
	v1 =	vshll.u32 v9, $0x10;
	v8 =	vadd.f32 v8, v7;
	v7 =	vadd.f32 v4, v2  }
0x30: {  	v19 =	vld [tilespmem:s30+$0xC850];
	v2 =	vshll.u32 v10, $0x10;
	v3 =	vadd.f32 v9, v0;
	v4 =	vimm.f32 $0.0e+00  }
0x31: {  	v18 =	vld [tilespmem:s30+$0xC8C0];
	v1 =	vadd.f32 v1, v0;
	v20 =	vadd.f32 v2, v0;
	v2 =	vshll.u32 v11, $0x10  }
0x32: {  	v16 =	vld [tilespmem:s30+$0xC8D0];
	v9 =	vadd.f32 v11, v3;
	v11 =	vimm.f32 $0.0e+00;
	v3 =	vimm.f32 $0.0e+00  }
0x33: {  	s1 =	simm.s32 $0x400;
	v15 =	vld [tilespmem:s30+$0xC860];
	v10 =	vadd.f32 v2, v1;
	v2 =	vimm.f32 $0.0e+00;
	v1 =	vimm.f32 $0.0e+00  }
.LBB2_3:
0x34: {  	p0 =	sne.s32 s1, $0x18C00;
	v23 =	vshll.u32 v17, $0x10;
	v24 =	vld [tilespmem:s30+$0xC870];
	v20 =	vadd.f32 v22, v20;
	v21 =	vadd.f32 v14, v21  }
0x35: {  	v11 =	vadd.f32 v17, v11;
	v0 =	vadd.f32 v23, v0;
	v14 =	vshll.u32 v19, $0x10;
	v17 =	vld [tilespmem:s30+$0xC8E0]  }
0x36: {  	v12 =	vadd.f32 v19, v12;
	v13 =	vadd.f32 v14, v13;
	v14 =	vshll.u32 v18, $0x10;
	v19 =	vld [tilespmem:s30+$0xC8F0];
	s30 =	sshra.s32 s1, $0x2  }
0x37: {  	v11 =	vadd.f32 v18, v11;
	v22 =	vld [tilespmem:s30+$0xC800];
	v0 =	vadd.f32 v14, v0;
	v14 =	vshll.u32 v16, $0x10  }
0x38: {  	v12 =	vadd.f32 v16, v12;
	v18 =	vld [tilespmem:s30+$0xC810];
	v23 =	vshll.u32 v15, $0x10;
	v13 =	vadd.f32 v14, v13  }
0x39: {  	v4 =	vadd.f32 v15, v4;
	v16 =	vld [tilespmem:s30+$0xC880];
	v3 =	vadd.f32 v23, v3;
	v14 =	vshll.u32 v24, $0x10  }
0x3a: {  	v1 =	vadd.f32 v24, v1;
	v15 =	vld [tilespmem:s30+$0xC890];
	v2 =	vadd.f32 v14, v2;
	v14 =	vshll.u32 v17, $0x10  }
0x3b: {  	v4 =	vadd.f32 v17, v4;
	v23 =	vld [tilespmem:s30+$0xC820];
	v3 =	vadd.f32 v14, v3;
	v14 =	vshll.u32 v19, $0x10  }
0x3c: {  	v1 =	vadd.f32 v19, v1;
	v17 =	vshll.u32 v22, $0x10;
	v24 =	vld [tilespmem:s30+$0xC830];
	v2 =	vadd.f32 v14, v2  }
0x3d: {  	v6 =	vadd.f32 v22, v6;
	v5 =	vadd.f32 v17, v5;
	v14 =	vshll.u32 v18, $0x10;
	v22 =	vld [tilespmem:s30+$0xC8A0]  }
0x3e: {  	v7 =	vadd.f32 v18, v7;
	v8 =	vadd.f32 v14, v8;
	v18 =	vshll.u32 v16, $0x10;
	v14 =	vld [tilespmem:s30+$0xC8B0]  }
.Ltmp0:
0x3f: {  	v6 =	vadd.f32 v16, v6;
	v17 =	vld [tilespmem:s30+$0xC840];
	v5 =	vadd.f32 v18, v5;
	v16 =	vshll.u32 v15, $0x10;
	(pc) =	sbr.rel @p0 .LBB2_3-.Ltmp0, $4  }
0x40: {  	v7 =	vadd.f32 v15, v7;
	v18 =	vshll.u32 v23, $0x10;
	v19 =	vld [tilespmem:s30+$0xC850];
	v8 =	vadd.f32 v16, v8  }
0x41: {  	v9 =	vadd.f32 v23, v9;
	v10 =	vadd.f32 v18, v10;
	v15 =	vshll.u32 v24, $0x10;
	v18 =	vld [tilespmem:s30+$0xC8C0]  }
0x42: {  	v21 =	vadd.f32 v24, v21;
	v20 =	vadd.f32 v15, v20;
	v23 =	vshll.u32 v22, $0x10;
	v16 =	vld [tilespmem:s30+$0xC8D0]  }
0x43: {  	s1 =	sadd.s32 $0x400, s1;
	v9 =	vadd.f32 v22, v9;
	v15 =	vld [tilespmem:s30+$0xC860];
	v10 =	vadd.f32 v23, v10;
	v22 =	vshll.u32 v14, $0x10  }
0x44: {  	v23 =	vld [tilespmem:s30+$0xC870]  }
0x45: {  	v24 =	vld [tilespmem:s30+$0xC8E0]  }
0x46: {  	v25 =	vld [tilespmem:s30+$0xC8F0];
	[tilespmem:$0x1F400] =	vst v5  }
0x47: {  	[tilespmem:$0x1F480] =	vst v6  }
0x48: {  	[tilespmem:$0x1F410] =	vst v8  }
0x49: {  	[tilespmem:$0x1F490] =	vst v7  }
0x4a: {  	v5 =	vshll.u32 v17, $0x10;
	v6 =	vadd.f32 v22, v20;
	v8 =	vadd.f32 v17, v11;
	[tilespmem:$0x1F420] =	vst v10  }
0x4b: {  	v7 =	vadd.f32 v14, v21;
	v0 =	vadd.f32 v5, v0;
	v5 =	vshll.u32 v19, $0x10;
	[tilespmem:$0x1F4A0] =	vst v9  }
0x4c: {  	v9 =	vadd.f32 v19, v12;
	v10 =	vshll.u32 v18, $0x10;
	[tilespmem:$0x1F430] =	vst v6;
	v6 =	vadd.f32 v18, v8  }
0x4d: {  	v5 =	vadd.f32 v5, v13;
	[tilespmem:$0x1F4B0] =	vst v7;
	v0 =	vadd.f32 v10, v0;
	v8 =	vshll.u32 v15, $0x10  }
0x4e: {  	s30 =	smul.u32 $0x3, s29;
	v10 =	vshll.u32 v16, $0x10;
	v7 =	vadd.f32 v16, v9;
	[tilespmem:$0x1F4C0] =	vst v6;
	v3 =	vadd.f32 v8, v3  }
0x4f: {  	v5 =	vadd.f32 v10, v5;
	[tilespmem:$0x1F440] =	vst v0;
	v0 =	vadd.f32 v15, v4;
	v8 =	vshll.u32 v24, $0x10  }
0x50: {  	s1 =	smul.u32 $0x180, s29;
	s0 =	sadd.s32 s5, s30;
	v4 =	vshll.u32 v23, $0x10;
	v1 =	vadd.f32 v23, v1;
	[tilespmem:$0x1F4D0] =	vst v7;
	v3 =	vadd.f32 v8, v3  }
0x51: {  	s0 =	sshll.u32 s0, $0x8;
	v2 =	vadd.f32 v4, v2;
	[tilespmem:$0x1F450] =	vst v5;
	v0 =	vadd.f32 v24, v0  }
0x52: {  	s1 =	sand.u32 $0x380, s1;
	s0 =	sand.u32 $0x7FFFF800, s0;
	v4 =	vshll.u32 v25, $0x10;
	v1 =	vadd.f32 v25, v1;
	[tilespmem:$0x1F460] =	vst v3  }
0x53: {  	s0 =	sor.u32 s1, s0;
	v2 =	vadd.f32 v4, v2;
	[tilespmem:$0x1F4E0] =	vst v0  }
0x54: {  	s0 =	sshrl.u32 s0, $0x3;
	[tilespmem:$0x1F4F0] =	vst v1  }
0x55: {  	s1 =	smul.u32 $0x960, s29;
	s0 =	sadd.s32 s4, s0;
	[tilespmem:$0x1F470] =	vst v2  }
0x56: {  	[hbm4b:s0+s10] =	stream.strided.scatter [tilespmem:s24], [sflag:$0x4], $0x100, s23, s10, $0x38;
	[tilespmem:$0x1F500] =	vst v63  }
0x57: {  	_ =	swait.ge [sflag:s9], $0x100  }
0x58: {  	s31 =	sshra.s32 s1, $0x2;
	[sflag:s9] =	ssyncset.done $0x0  }
0x59: {  	s0 =	sadd.s32 $0x258, s31;
	[sflag:s9] =	ssyncadd.s32 $0xFFFFFF00  }
0x5a: {  	[tilespmem:s11], [sflag:$0x1] =	stream.indirect.gather [hbm4b:s3+s10], $0x80, s0, s10, $0xb8;
	[tilespmem:$0x1F500] =	vst v63  }
0x5b: {  	s14 =	sadd.s32 $0x2D8, s31  }
0x5c: {  	[tilespmem:s13], [sflag:$0x1] =	stream.indirect.gather [hbm4b:s3+s12], $0x80, s14, s12, $0xb8;
	[tilespmem:$0x1F500] =	vst v63  }
0x5d: {  	_ =	swait.ge [sflag:s25], $0x4000  }
0x5e: {  	[sflag:s25] =	ssyncset.done $0x0  }
0x5f: {  	[sflag:s25] =	ssyncadd.s32 $0xFFFFC000  }
0x60: {  	_ =	swait.ge [sflag:s25], $0x2400  }
0x61: {  	[sflag:s25] =	ssyncset.done $0x0  }
0x62: {  	s1 =	simm.s32 $0x0;
	[sflag:s25] =	ssyncadd.s32 $0xFFFFDC00  }
0x63: {  	v1 =	vld [tilespmem:s1+$0x12C00]  }
0x64: {  	v2 =	vld [tilespmem:s1+$0x12C10]  }
0x65: {  	v3 =	vld [tilespmem:s1+$0x12C80]  }
0x66: {  	v4 =	vld [tilespmem:s1+$0x12C90]  }
0x67: {  	v10 =	vld [tilespmem:s1+$0x12C30]  }
0x68: {  	v14 =	vld [tilespmem:s1+$0x12CB0]  }
0x69: {  	v12 =	vimm.f32 $0.0e+00;
	v13 =	vimm.f32 $0.0e+00;
	v0 =	vimm.f32 $0.0e+00;
	v9 =	vld [tilespmem:s1+$0x12C20]  }
0x6a: {  	v5 =	vshll.u32 v1, $0x10;
	v6 =	vshll.u32 v2, $0x10;
	v1 =	vadd.f32 v1, v0  }
0x6b: {  	v11 =	vld [tilespmem:s1+$0x12CA0];
	v2 =	vadd.f32 v2, v0;
	v8 =	vshll.u32 v4, $0x10;
	v5 =	vadd.f32 v5, v0  }
0x6c: {  	v21 =	vadd.f32 v10, v0;
	v7 =	vadd.f32 v6, v0;
	v6 =	vshll.u32 v3, $0x10  }
0x6d: {  	v22 =	vshll.u32 v14, $0x10;
	v5 =	vadd.f32 v6, v5;
	v6 =	vadd.f32 v3, v1  }
0x6e: {  	v17 =	vld [tilespmem:s1+$0x12C40];
	v1 =	vshll.u32 v9, $0x10;
	v8 =	vadd.f32 v8, v7;
	v7 =	vadd.f32 v4, v2  }
0x6f: {  	v19 =	vld [tilespmem:s1+$0x12C50];
	v2 =	vshll.u32 v10, $0x10;
	v3 =	vadd.f32 v9, v0;
	v4 =	vimm.f32 $0.0e+00  }
0x70: {  	v18 =	vld [tilespmem:s1+$0x12CC0];
	v1 =	vadd.f32 v1, v0;
	v20 =	vadd.f32 v2, v0;
	v2 =	vshll.u32 v11, $0x10  }
0x71: {  	v16 =	vld [tilespmem:s1+$0x12CD0];
	v9 =	vadd.f32 v11, v3;
	v11 =	vimm.f32 $0.0e+00;
	v3 =	vimm.f32 $0.0e+00  }
0x72: {  	s0 =	simm.s32 $0x400;
	v15 =	vld [tilespmem:s1+$0x12C60];
	v10 =	vadd.f32 v2, v1;
	v2 =	vimm.f32 $0.0e+00;
	v1 =	vimm.f32 $0.0e+00  }
.LBB2_5:
0x73: {  	p0 =	sne.s32 s0, $0x18C00;
	v23 =	vshll.u32 v17, $0x10;
	v24 =	vld [tilespmem:s1+$0x12C70];
	v20 =	vadd.f32 v22, v20;
	v21 =	vadd.f32 v14, v21  }
0x74: {  	v11 =	vadd.f32 v17, v11;
	v0 =	vadd.f32 v23, v0;
	v14 =	vshll.u32 v19, $0x10;
	v17 =	vld [tilespmem:s1+$0x12CE0]  }
0x75: {  	v12 =	vadd.f32 v19, v12;
	v13 =	vadd.f32 v14, v13;
	v14 =	vshll.u32 v18, $0x10;
	v19 =	vld [tilespmem:s1+$0x12CF0];
	s1 =	sshra.s32 s0, $0x2  }
0x76: {  	v11 =	vadd.f32 v18, v11;
	v22 =	vld [tilespmem:s1+$0x12C00];
	v0 =	vadd.f32 v14, v0;
	v14 =	vshll.u32 v16, $0x10  }
0x77: {  	v12 =	vadd.f32 v16, v12;
	v18 =	vld [tilespmem:s1+$0x12C10];
	v23 =	vshll.u32 v15, $0x10;
	v13 =	vadd.f32 v14, v13  }
0x78: {  	v4 =	vadd.f32 v15, v4;
	v16 =	vld [tilespmem:s1+$0x12C80];
	v3 =	vadd.f32 v23, v3;
	v14 =	vshll.u32 v24, $0x10  }
0x79: {  	v1 =	vadd.f32 v24, v1;
	v15 =	vld [tilespmem:s1+$0x12C90];
	v2 =	vadd.f32 v14, v2;
	v14 =	vshll.u32 v17, $0x10  }
0x7a: {  	v4 =	vadd.f32 v17, v4;
	v23 =	vld [tilespmem:s1+$0x12C20];
	v3 =	vadd.f32 v14, v3;
	v14 =	vshll.u32 v19, $0x10  }
0x7b: {  	v1 =	vadd.f32 v19, v1;
	v17 =	vshll.u32 v22, $0x10;
	v24 =	vld [tilespmem:s1+$0x12C30];
	v2 =	vadd.f32 v14, v2  }
0x7c: {  	v6 =	vadd.f32 v22, v6;
	v5 =	vadd.f32 v17, v5;
	v14 =	vshll.u32 v18, $0x10;
	v22 =	vld [tilespmem:s1+$0x12CA0]  }
0x7d: {  	v7 =	vadd.f32 v18, v7;
	v8 =	vadd.f32 v14, v8;
	v18 =	vshll.u32 v16, $0x10;
	v14 =	vld [tilespmem:s1+$0x12CB0]  }
.Ltmp1:
0x7e: {  	v6 =	vadd.f32 v16, v6;
	v17 =	vld [tilespmem:s1+$0x12C40];
	v5 =	vadd.f32 v18, v5;
	v16 =	vshll.u32 v15, $0x10;
	(pc) =	sbr.rel @p0 .LBB2_5-.Ltmp1, $4  }
0x7f: {  	v7 =	vadd.f32 v15, v7;
	v18 =	vshll.u32 v23, $0x10;
	v19 =	vld [tilespmem:s1+$0x12C50];
	v8 =	vadd.f32 v16, v8  }
0x80: {  	v9 =	vadd.f32 v23, v9;
	v10 =	vadd.f32 v18, v10;
	v15 =	vshll.u32 v24, $0x10;
	v18 =	vld [tilespmem:s1+$0x12CC0]  }
0x81: {  	v21 =	vadd.f32 v24, v21;
	v20 =	vadd.f32 v15, v20;
	v23 =	vshll.u32 v22, $0x10;
	v16 =	vld [tilespmem:s1+$0x12CD0]  }
0x82: {  	s0 =	sadd.s32 $0x400, s0;
	v9 =	vadd.f32 v22, v9;
	v15 =	vld [tilespmem:s1+$0x12C60];
	v10 =	vadd.f32 v23, v10;
	v22 =	vshll.u32 v14, $0x10  }
0x83: {  	v23 =	vld [tilespmem:s1+$0x12C70]  }
0x84: {  	v24 =	vld [tilespmem:s1+$0x12CE0]  }
0x85: {  	v25 =	vld [tilespmem:s1+$0x12CF0];
	[tilespmem:$0x1F400] =	vst v5  }
0x86: {  	[tilespmem:$0x1F480] =	vst v6  }
0x87: {  	[tilespmem:$0x1F410] =	vst v8  }
0x88: {  	[tilespmem:$0x1F490] =	vst v7  }
0x89: {  	v5 =	vshll.u32 v17, $0x10;
	v6 =	vadd.f32 v22, v20;
	v8 =	vadd.f32 v17, v11;
	[tilespmem:$0x1F420] =	vst v10  }
0x8a: {  	v7 =	vadd.f32 v14, v21;
	v0 =	vadd.f32 v5, v0;
	v5 =	vshll.u32 v19, $0x10;
	[tilespmem:$0x1F4A0] =	vst v9  }
0x8b: {  	v9 =	vadd.f32 v19, v12;
	v10 =	vshll.u32 v18, $0x10;
	[tilespmem:$0x1F430] =	vst v6;
	v6 =	vadd.f32 v18, v8  }
0x8c: {  	v5 =	vadd.f32 v5, v13;
	[tilespmem:$0x1F4B0] =	vst v7;
	v0 =	vadd.f32 v10, v0;
	v8 =	vshll.u32 v15, $0x10  }
0x8d: {  	v10 =	vshll.u32 v16, $0x10;
	v7 =	vadd.f32 v16, v9;
	[tilespmem:$0x1F4C0] =	vst v6;
	v3 =	vadd.f32 v8, v3  }
0x8e: {  	v5 =	vadd.f32 v10, v5;
	[tilespmem:$0x1F440] =	vst v0;
	v0 =	vadd.f32 v15, v4;
	v8 =	vshll.u32 v24, $0x10  }
0x8f: {  	v4 =	vshll.u32 v23, $0x10;
	v1 =	vadd.f32 v23, v1;
	[tilespmem:$0x1F4D0] =	vst v7;
	v3 =	vadd.f32 v8, v3  }
0x90: {  	s0 =	sadd.s32 $0x1, s30;
	v2 =	vadd.f32 v4, v2;
	[tilespmem:$0x1F450] =	vst v5;
	v0 =	vadd.f32 v24, v0  }
0x91: {  	s14 =	sadd.s32 s5, s0;
	s0 =	sshll.u32 s0, $0x4;
	v4 =	vshll.u32 v25, $0x10;
	v1 =	vadd.f32 v25, v1;
	[tilespmem:$0x1F460] =	vst v3  }
0x92: {  	s1 =	sshll.u32 s14, $0x5;
	s0 =	sand.u32 $0x70, s0;
	v2 =	vadd.f32 v4, v2;
	[tilespmem:$0x1F4E0] =	vst v0  }
0x93: {  	s1 =	sand.u32 $0xFFFFF00, s1;
	s0 =	sadd.s32 s4, s0;
	[tilespmem:$0x1F4F0] =	vst v1  }
0x94: {  	s0 =	sadd.s32 s1, s0;
	[tilespmem:$0x1F470] =	vst v2  }
0x95: {  	[hbm4b:s0+s10] =	stream.strided.scatter [tilespmem:s24], [sflag:$0x4], $0x100, s23, s10, $0x38;
	[tilespmem:$0x1F500] =	vst v63  }
0x96: {  	p0 =	seq.s32 s29, $0x54;
	_ =	swait.ge [sflag:s9], $0x100  }
0x97: {  	s14 =	simm.s32 @!p0 $0x12C00;
	[sflag:s9] =	ssyncset.done $0x0  }
0x98: {  	s1 =	simm.s32 @!p0 $0x80;
	s0 =	sadd.s32 @!p0 $0x320, s31;
	[sflag:s9] =	ssyncadd.s32 $0xFFFFFF00  }
0x99: {  	[tilespmem:s14], [sflag:$0x2] =	stream.indirect.gather @!p0 [hbm4b:s3+s1], $0x80, s0, s1, $0xb8;
	[tilespmem:$0x1F500] =	vst v63  }
0x9a: {  	s0 =	sadd.s32 @!p0 $0x3A0, s31;
	s1 =	simm.s32 @!p0 $0x48;
	s14 =	simm.s32 @!p0 $0x16C00  }
0x9b: {  	[tilespmem:s14], [sflag:$0x2] =	stream.indirect.gather @!p0 [hbm4b:s3+s1], $0x80, s0, s1, $0xb8;
	[tilespmem:$0x1F500] =	vst v63  }
0x9c: {  	_ =	swait.ge [sflag:s26], $0x4000  }
0x9d: {  	[sflag:s26] =	ssyncset.done $0x0  }
0x9e: {  	[sflag:s26] =	ssyncadd.s32 $0xFFFFC000  }
0x9f: {  	_ =	swait.ge [sflag:s26], $0x2400  }
0xa0: {  	[sflag:s26] =	ssyncset.done $0x0  }
0xa1: {  	s1 =	simm.s32 $0x0;
	[sflag:s26] =	ssyncadd.s32 $0xFFFFDC00  }
0xa2: {  	v1 =	vld [tilespmem:s1+$0x19000]  }
0xa3: {  	v2 =	vld [tilespmem:s1+$0x19010]  }
0xa4: {  	v3 =	vld [tilespmem:s1+$0x19080]  }
0xa5: {  	v4 =	vld [tilespmem:s1+$0x19090]  }
0xa6: {  	v10 =	vld [tilespmem:s1+$0x19030]  }
0xa7: {  	v14 =	vld [tilespmem:s1+$0x190B0]  }
0xa8: {  	v12 =	vimm.f32 $0.0e+00;
	v13 =	vimm.f32 $0.0e+00;
	v0 =	vimm.f32 $0.0e+00;
	v9 =	vld [tilespmem:s1+$0x19020]  }
0xa9: {  	v5 =	vshll.u32 v1, $0x10;
	v6 =	vshll.u32 v2, $0x10;
	v1 =	vadd.f32 v1, v0  }
0xaa: {  	v11 =	vld [tilespmem:s1+$0x190A0];
	v2 =	vadd.f32 v2, v0;
	v8 =	vshll.u32 v4, $0x10;
	v5 =	vadd.f32 v5, v0  }
0xab: {  	v21 =	vadd.f32 v10, v0;
	v7 =	vadd.f32 v6, v0;
	v6 =	vshll.u32 v3, $0x10  }
0xac: {  	v22 =	vshll.u32 v14, $0x10;
	v5 =	vadd.f32 v6, v5;
	v6 =	vadd.f32 v3, v1  }
0xad: {  	v17 =	vld [tilespmem:s1+$0x19040];
	v1 =	vshll.u32 v9, $0x10;
	v8 =	vadd.f32 v8, v7;
	v7 =	vadd.f32 v4, v2  }
0xae: {  	v19 =	vld [tilespmem:s1+$0x19050];
	v2 =	vshll.u32 v10, $0x10;
	v3 =	vadd.f32 v9, v0;
	v4 =	vimm.f32 $0.0e+00  }
0xaf: {  	v18 =	vld [tilespmem:s1+$0x190C0];
	v1 =	vadd.f32 v1, v0;
	v20 =	vadd.f32 v2, v0;
	v2 =	vshll.u32 v11, $0x10  }
0xb0: {  	v16 =	vld [tilespmem:s1+$0x190D0];
	v9 =	vadd.f32 v11, v3;
	v11 =	vimm.f32 $0.0e+00;
	v3 =	vimm.f32 $0.0e+00  }
0xb1: {  	s0 =	simm.s32 $0x400;
	v15 =	vld [tilespmem:s1+$0x19060];
	v10 =	vadd.f32 v2, v1;
	v2 =	vimm.f32 $0.0e+00;
	v1 =	vimm.f32 $0.0e+00  }
.LBB2_7:
0xb2: {  	p1 =	sne.s32 s0, $0x18C00;
	v23 =	vshll.u32 v17, $0x10;
	v24 =	vld [tilespmem:s1+$0x19070];
	v20 =	vadd.f32 v22, v20;
	v21 =	vadd.f32 v14, v21  }
0xb3: {  	v11 =	vadd.f32 v17, v11;
	v0 =	vadd.f32 v23, v0;
	v14 =	vshll.u32 v19, $0x10;
	v17 =	vld [tilespmem:s1+$0x190E0]  }
0xb4: {  	v12 =	vadd.f32 v19, v12;
	v13 =	vadd.f32 v14, v13;
	v14 =	vshll.u32 v18, $0x10;
	v19 =	vld [tilespmem:s1+$0x190F0];
	s1 =	sshra.s32 s0, $0x2  }
0xb5: {  	v11 =	vadd.f32 v18, v11;
	v22 =	vld [tilespmem:s1+$0x19000];
	v0 =	vadd.f32 v14, v0;
	v14 =	vshll.u32 v16, $0x10  }
0xb6: {  	v12 =	vadd.f32 v16, v12;
	v18 =	vld [tilespmem:s1+$0x19010];
	v23 =	vshll.u32 v15, $0x10;
	v13 =	vadd.f32 v14, v13  }
0xb7: {  	v4 =	vadd.f32 v15, v4;
	v16 =	vld [tilespmem:s1+$0x19080];
	v3 =	vadd.f32 v23, v3;
	v14 =	vshll.u32 v24, $0x10  }
0xb8: {  	v1 =	vadd.f32 v24, v1;
	v15 =	vld [tilespmem:s1+$0x19090];
	v2 =	vadd.f32 v14, v2;
	v14 =	vshll.u32 v17, $0x10  }
0xb9: {  	v4 =	vadd.f32 v17, v4;
	v23 =	vld [tilespmem:s1+$0x19020];
	v3 =	vadd.f32 v14, v3;
	v14 =	vshll.u32 v19, $0x10  }
0xba: {  	v1 =	vadd.f32 v19, v1;
	v17 =	vshll.u32 v22, $0x10;
	v24 =	vld [tilespmem:s1+$0x19030];
	v2 =	vadd.f32 v14, v2  }
0xbb: {  	v6 =	vadd.f32 v22, v6;
	v5 =	vadd.f32 v17, v5;
	v14 =	vshll.u32 v18, $0x10;
	v22 =	vld [tilespmem:s1+$0x190A0]  }
0xbc: {  	v7 =	vadd.f32 v18, v7;
	v8 =	vadd.f32 v14, v8;
	v18 =	vshll.u32 v16, $0x10;
	v14 =	vld [tilespmem:s1+$0x190B0]  }
.Ltmp2:
0xbd: {  	v6 =	vadd.f32 v16, v6;
	v17 =	vld [tilespmem:s1+$0x19040];
	v5 =	vadd.f32 v18, v5;
	v16 =	vshll.u32 v15, $0x10;
	(pc) =	sbr.rel @p1 .LBB2_7-.Ltmp2, $4  }
0xbe: {  	v7 =	vadd.f32 v15, v7;
	v18 =	vshll.u32 v23, $0x10;
	v19 =	vld [tilespmem:s1+$0x19050];
	v8 =	vadd.f32 v16, v8  }
0xbf: {  	v9 =	vadd.f32 v23, v9;
	v10 =	vadd.f32 v18, v10;
	v15 =	vshll.u32 v24, $0x10;
	v18 =	vld [tilespmem:s1+$0x190C0]  }
0xc0: {  	v21 =	vadd.f32 v24, v21;
	v20 =	vadd.f32 v15, v20;
	v23 =	vshll.u32 v22, $0x10;
	v16 =	vld [tilespmem:s1+$0x190D0]  }
0xc1: {  	s0 =	sadd.s32 $0x400, s0;
	v9 =	vadd.f32 v22, v9;
	v15 =	vld [tilespmem:s1+$0x19060];
	v10 =	vadd.f32 v23, v10;
	v22 =	vshll.u32 v14, $0x10  }
0xc2: {  	v23 =	vld [tilespmem:s1+$0x19070]  }
0xc3: {  	v24 =	vld [tilespmem:s1+$0x190E0]  }
0xc4: {  	v25 =	vld [tilespmem:s1+$0x190F0];
	[tilespmem:$0x1F400] =	vst v5  }
0xc5: {  	[tilespmem:$0x1F480] =	vst v6  }
0xc6: {  	[tilespmem:$0x1F410] =	vst v8  }
0xc7: {  	[tilespmem:$0x1F490] =	vst v7  }
0xc8: {  	v49 =	vshll.u32 v17, $0x10;
	v50 =	vadd.f32 v22, v20;
	v53 =	vadd.f32 v17, v11;
	[tilespmem:$0x1F420] =	vst v10  }
0xc9: {  	v51 =	vadd.f32 v14, v21;
	v0 =	vadd.f32 v49, v0;
	v52 =	vshll.u32 v19, $0x10;
	[tilespmem:$0x1F4A0] =	vst v9  }
0xca: {  	v55 =	vadd.f32 v19, v12;
	v54 =	vshll.u32 v18, $0x10;
	[tilespmem:$0x1F430] =	vst v50;
	v57 =	vadd.f32 v18, v53  }
0xcb: {  	v5 =	vadd.f32 v52, v13;
	[tilespmem:$0x1F4B0] =	vst v51;
	v0 =	vadd.f32 v54, v0;
	v56 =	vshll.u32 v16, $0x10  }
0xcc: {  	v59 =	vadd.f32 v16, v55;
	v58 =	vshll.u32 v15, $0x10;
	v60 =	vadd.f32 v15, v4;
	[tilespmem:$0x1F4C0] =	vst v57  }
0xcd: {  	v5 =	vadd.f32 v56, v5;
	v3 =	vadd.f32 v58, v3;
	[tilespmem:$0x1F440] =	vst v0;
	v61 =	vshll.u32 v23, $0x10  }
0xce: {  	v62 =	vshll.u32 v24, $0x10;
	v1 =	vadd.f32 v23, v1;
	[tilespmem:$0x1F4D0] =	vst v59;
	v0 =	vadd.f32 v24, v60  }
0xcf: {  	s0 =	sadd.s32 $0x2, s30;
	v2 =	vadd.f32 v61, v2;
	[tilespmem:$0x1F450] =	vst v5;
	v3 =	vadd.f32 v62, v3  }
0xd0: {  	s30 =	sadd.s32 s5, s0;
	s0 =	sshll.u32 s0, $0x4;
	v63 =	vshll.u32 v25, $0x10;
	v1 =	vadd.f32 v25, v1;
	[tilespmem:$0x1F4E0] =	vst v0  }
0xd1: {  	s1 =	sshll.u32 s30, $0x5;
	s0 =	sand.u32 $0x70, s0;
	v2 =	vadd.f32 v63, v2;
	[tilespmem:$0x1F460] =	vst v3  }
0xd2: {  	s1 =	sand.u32 $0xFFFFF00, s1;
	s0 =	sadd.s32 s4, s0;
	[tilespmem:$0x1F4F0] =	vst v1  }
.Ltmp3:
0xd3: {  	s0 =	sadd.s32 s1, s0;
	[tilespmem:$0x1F470] =	vst v2;
	(pc) =	sbr.rel @p0 .LBB2_10-.Ltmp3, $4  }
0xd4: {  	[hbm4b:s0+s10] =	stream.strided.scatter [tilespmem:s24], [sflag:$0x4], $0x100, s23, s10, $0x38;
	[tilespmem:$0x1F500] =	vst v63  }
0xd5: {  	_ =	swait.ge [sflag:s9], $0x100  }
0xd6: {  	[sflag:s9] =	ssyncset.done $0x0  }
0xd7: {  	[sflag:s9] =	ssyncadd.s32 $0xFFFFFF00  }
.Ltmp4:
0xd8: {  	(pc) =	sbr.rel .LBB2_2-.Ltmp4, $4  }
0xd9: {  	s0 =	sadd.s32 $0x3E8, s31  }
0xda: {  	[tilespmem:s19], [sflag:$0x3] =	stream.indirect.gather [hbm4b:s3+s10], $0x80, s0, s10, $0xb8;
	[tilespmem:$0x1F500] =	vst v63  }
0xdb: {  	s31 =	sadd.s32 $0x468, s31;
	s29 =	sadd.s32 $0x1, s29  }
0xdc: {  	[tilespmem:s21], [sflag:$0x3] =	stream.indirect.gather [hbm4b:s3+s12], $0x80, s31, s12, $0xb8;
	[tilespmem:$0x1F500] =	vst v63  }
.LBB2_10:
0xdd: {  	_ =	swait.ge [sflag:s22], $0x4000  }
0xde: {  	[sflag:s22] =	ssyncset.done $0x0  }
0xdf: {  	[sflag:s22] =	ssyncadd.s32 $0xFFFFC000  }
0xe0: {  	_ =	swait.ge [sflag:s22], $0x2400  }
0xe1: {  	[sflag:s22] =	ssyncset.done $0x0  }
0xe2: {  	s1 =	simm.s32 $0x0;
	[sflag:s22] =	ssyncadd.s32 $0xFFFFDC00  }
0xe3: {  	v1 =	vld [tilespmem:s1+$0xC800]  }
0xe4: {  	v2 =	vld [tilespmem:s1+$0xC810]  }
0xe5: {  	v3 =	vld [tilespmem:s1+$0xC880]  }
0xe6: {  	v4 =	vld [tilespmem:s1+$0xC890]  }
0xe7: {  	v10 =	vld [tilespmem:s1+$0xC830]  }
0xe8: {  	v14 =	vld [tilespmem:s1+$0xC8B0]  }
0xe9: {  	v0 =	vimm.f32 $0.0e+00;
	v13 =	vimm.f32 $0.0e+00;
	v12 =	vimm.f32 $0.0e+00;
	v9 =	vld [tilespmem:s1+$0xC820]  }
0xea: {  	v5 =	vshll.u32 v1, $0x10;
	v6 =	vshll.u32 v2, $0x10;
	v1 =	vadd.f32 v1, v0  }
0xeb: {  	v11 =	vld [tilespmem:s1+$0xC8A0];
	v2 =	vadd.f32 v2, v0;
	v8 =	vshll.u32 v4, $0x10;
	v5 =	vadd.f32 v5, v0  }
0xec: {  	v21 =	vadd.f32 v10, v0;
	v7 =	vadd.f32 v6, v0;
	v6 =	vshll.u32 v3, $0x10  }
0xed: {  	v22 =	vshll.u32 v14, $0x10;
	v5 =	vadd.f32 v6, v5;
	v6 =	vadd.f32 v3, v1  }
0xee: {  	v17 =	vld [tilespmem:s1+$0xC840];
	v1 =	vshll.u32 v9, $0x10;
	v8 =	vadd.f32 v8, v7;
	v7 =	vadd.f32 v4, v2  }
0xef: {  	v19 =	vld [tilespmem:s1+$0xC850];
	v2 =	vshll.u32 v10, $0x10;
	v3 =	vadd.f32 v9, v0;
	v4 =	vimm.f32 $0.0e+00  }
0xf0: {  	v18 =	vld [tilespmem:s1+$0xC8C0];
	v1 =	vadd.f32 v1, v0;
	v20 =	vadd.f32 v2, v0;
	v2 =	vshll.u32 v11, $0x10  }
0xf1: {  	v16 =	vld [tilespmem:s1+$0xC8D0];
	v9 =	vadd.f32 v11, v3;
	v11 =	vimm.f32 $0.0e+00;
	v3 =	vimm.f32 $0.0e+00  }
0xf2: {  	s0 =	simm.s32 $0x400;
	v15 =	vld [tilespmem:s1+$0xC860];
	v10 =	vadd.f32 v2, v1;
	v2 =	vimm.f32 $0.0e+00;
	v1 =	vimm.f32 $0.0e+00  }
.LBB2_11:
0xf3: {  	p0 =	sne.s32 s0, $0x18C00;
	v23 =	vshll.u32 v17, $0x10;
	v24 =	vld [tilespmem:s1+$0xC870];
	v20 =	vadd.f32 v22, v20;
	v21 =	vadd.f32 v14, v21  }
0xf4: {  	v11 =	vadd.f32 v17, v11;
	v0 =	vadd.f32 v23, v0;
	v14 =	vshll.u32 v19, $0x10;
	v17 =	vld [tilespmem:s1+$0xC8E0]  }
0xf5: {  	v12 =	vadd.f32 v19, v12;
	v13 =	vadd.f32 v14, v13;
	v14 =	vshll.u32 v18, $0x10;
	v19 =	vld [tilespmem:s1+$0xC8F0];
	s1 =	sshra.s32 s0, $0x2  }
0xf6: {  	v11 =	vadd.f32 v18, v11;
	v22 =	vld [tilespmem:s1+$0xC800];
	v0 =	vadd.f32 v14, v0;
	v14 =	vshll.u32 v16, $0x10  }
0xf7: {  	v12 =	vadd.f32 v16, v12;
	v18 =	vld [tilespmem:s1+$0xC810];
	v23 =	vshll.u32 v15, $0x10;
	v13 =	vadd.f32 v14, v13  }
0xf8: {  	v4 =	vadd.f32 v15, v4;
	v16 =	vld [tilespmem:s1+$0xC880];
	v3 =	vadd.f32 v23, v3;
	v14 =	vshll.u32 v24, $0x10  }
0xf9: {  	v1 =	vadd.f32 v24, v1;
	v15 =	vld [tilespmem:s1+$0xC890];
	v2 =	vadd.f32 v14, v2;
	v14 =	vshll.u32 v17, $0x10  }
0xfa: {  	v4 =	vadd.f32 v17, v4;
	v23 =	vld [tilespmem:s1+$0xC820];
	v3 =	vadd.f32 v14, v3;
	v14 =	vshll.u32 v19, $0x10  }
0xfb: {  	v1 =	vadd.f32 v19, v1;
	v17 =	vshll.u32 v22, $0x10;
	v24 =	vld [tilespmem:s1+$0xC830];
	v2 =	vadd.f32 v14, v2  }
0xfc: {  	v6 =	vadd.f32 v22, v6;
	v5 =	vadd.f32 v17, v5;
	v14 =	vshll.u32 v18, $0x10;
	v22 =	vld [tilespmem:s1+$0xC8A0]  }
0xfd: {  	v7 =	vadd.f32 v18, v7;
	v8 =	vadd.f32 v14, v8;
	v18 =	vshll.u32 v16, $0x10;
	v14 =	vld [tilespmem:s1+$0xC8B0]  }
.Ltmp5:
0xfe: {  	v6 =	vadd.f32 v16, v6;
	v17 =	vld [tilespmem:s1+$0xC840];
	v5 =	vadd.f32 v18, v5;
	v16 =	vshll.u32 v15, $0x10;
	(pc) =	sbr.rel @p0 .LBB2_11-.Ltmp5, $4  }
0xff: {  	v7 =	vadd.f32 v15, v7;
	v18 =	vshll.u32 v23, $0x10;
	v19 =	vld [tilespmem:s1+$0xC850];
	v8 =	vadd.f32 v16, v8  }
0x100: {  	v9 =	vadd.f32 v23, v9;
	v10 =	vadd.f32 v18, v10;
	v15 =	vshll.u32 v24, $0x10;
	v18 =	vld [tilespmem:s1+$0xC8C0]  }
0x101: {  	v21 =	vadd.f32 v24, v21;
	v20 =	vadd.f32 v15, v20;
	v23 =	vshll.u32 v22, $0x10;
	v16 =	vld [tilespmem:s1+$0xC8D0]  }
0x102: {  	s0 =	sadd.s32 $0x400, s0;
	v9 =	vadd.f32 v22, v9;
	v15 =	vld [tilespmem:s1+$0xC860];
	v10 =	vadd.f32 v23, v10;
	v22 =	vshll.u32 v14, $0x10  }
0x103: {  	v23 =	vld [tilespmem:s1+$0xC870]  }
0x104: {  	v24 =	vld [tilespmem:s1+$0xC8E0]  }
0x105: {  	v25 =	vld [tilespmem:s1+$0xC8F0];
	[tilespmem:$0x1F400] =	vst v5  }
0x106: {  	[tilespmem:$0x1F480] =	vst v6  }
0x107: {  	[tilespmem:$0x1F410] =	vst v8  }
0x108: {  	[tilespmem:$0x1F490] =	vst v7  }
0x109: {  	v49 =	vshll.u32 v17, $0x10;
	v50 =	vadd.f32 v22, v20;
	v53 =	vadd.f32 v17, v11;
	[tilespmem:$0x1F420] =	vst v10  }
0x10a: {  	v51 =	vadd.f32 v14, v21;
	v0 =	vadd.f32 v49, v0;
	v52 =	vshll.u32 v19, $0x10;
	[tilespmem:$0x1F4A0] =	vst v9  }
0x10b: {  	v55 =	vadd.f32 v19, v12;
	v54 =	vshll.u32 v18, $0x10;
	[tilespmem:$0x1F430] =	vst v50;
	v57 =	vadd.f32 v18, v53  }
0x10c: {  	v5 =	vadd.f32 v52, v13;
	[tilespmem:$0x1F4B0] =	vst v51;
	v0 =	vadd.f32 v54, v0;
	v56 =	vshll.u32 v16, $0x10  }
0x10d: {  	v59 =	vadd.f32 v16, v55;
	v58 =	vshll.u32 v15, $0x10;
	v60 =	vadd.f32 v15, v4;
	[tilespmem:$0x1F4C0] =	vst v57  }
0x10e: {  	v5 =	vadd.f32 v56, v5;
	v3 =	vadd.f32 v58, v3;
	[tilespmem:$0x1F440] =	vst v0;
	v61 =	vshll.u32 v23, $0x10  }
0x10f: {  	v62 =	vshll.u32 v24, $0x10;
	v1 =	vadd.f32 v23, v1;
	[tilespmem:$0x1F4D0] =	vst v59;
	v0 =	vadd.f32 v24, v60  }
0x110: {  	v2 =	vadd.f32 v61, v2;
	[tilespmem:$0x1F450] =	vst v5;
	v3 =	vadd.f32 v62, v3  }
0x111: {  	v63 =	vshll.u32 v25, $0x10;
	v1 =	vadd.f32 v25, v1;
	[tilespmem:$0x1F4E0] =	vst v0  }
0x112: {  	s28 =	sadd.s32 $0x1, s28;
	v2 =	vadd.f32 v63, v2;
	[tilespmem:$0x1F460] =	vst v3  }
0x113: {  	p0 =	sne.s32 s28, s8;
	[tilespmem:$0x1F4F0] =	vst v1  }
.Ltmp6:
0x114: {  	[tilespmem:$0x1F470] =	vst v2;
	(pc) =	sbr.rel @p0 .LBB2_1-.Ltmp6, $4  }
0x115: {  	[hbm4b:s7+s10] =	stream.strided.scatter [tilespmem:s24], [sflag:$0x4], $0x100, s23, s10, $0x38;
	[tilespmem:$0x1F500] =	vst v63  }
0x116: {  	_ =	swait.ge [sflag:s9], $0x100  }
0x117: {  	[sflag:s9] =	ssyncset.done $0x0  }
0x118: {  	[sflag:s9] =	ssyncadd.s32 $0xFFFFFF00  }
0x119: {  	_ =	sfence.sel $0x180000  }
0x11a: {  	[bflag:$0x0] =	sbarrier.arrive $0xFFFF  }
0x11b: {  	_ =	strace $0x90000047  }
0x11c: {  	s0 =	stileid.u32;
	[bflag:$0x2] =	sbarrier.arrive $0xFFFF  }
0x11d: {  	p0 =	sne.s32 s0, $0x0;
	s0 =	rddreg [dreg:$0x1]  }
0x11e: {  	s0 =	sadd.s32 @!p0 $0x100000, s0  }
0x11f: {  	[sflag:s0] =	ssyncadd.tile.s32 @!p0 $0x1;
	_ =	shalt  }
.Lfunc_end2:
_tile_overlayer_lowered:
.L_overlay_start_2:
0x120: {  	(tag) =	ssettag $0x2  }
0x121: {  	s0 =	rddreg [dreg:$0x0];
	s2 =	stileid.u32  }
0x122: {  	s1 =	rddreg [dreg:$0x1];
	p0 =	sne.s32 s2, $0x0  }
0x123: {  	s3 =	rddreg [dreg:$0x2];
	[bflag:$0x3] =	sbarrier.arrive $0xFFFF;
	s2 =	simm.s32 @!p0 $0x1C04  }
0x124: {  	[timem:s3], [sflag:s2] =	dma.local @!p0 [hbm:s0], s1  }
0x125: {  	s0 =	simm.s32 @!p0 $0x4  }
0x126: {  	_ =	swait.ge @!p0 [sflag:s0], s1  }
0x127: {  	s1 =	ssub.s32 @!p0 $0x0, s1;
	[sflag:s0] =	ssyncset.done @!p0 $0x0  }
0x128: {  	[sflag:s0] =	ssyncadd.s32 @!p0 s1  }
0x129: {  	[bflag:$0x3] =	sbarrier.arrive $0xFFFF  }
0x12a: {  	_ =	shalt  }

</sc_bundles>
